<compile_context>
chip_gen: v7x
topology: tpu7x:2x2x1
jax: 0.10.2.dev20260603
libtpu: 0.0.44.dev20260713+nightly
codegen_flags: <defaults>
</compile_context>

<pallas_src>
import functools

import jax
import jax.numpy as jnp
from jax import lax
from jax.experimental import pallas as pl
from jax.experimental.pallas import tpu as pltpu
from jax.experimental.pallas import tpu_sc as plsc

IN_C = 3
CGEO = 256
N1 = 512
N2 = 128
RADII1 = (0.1, 0.2, 0.4)
NS1 = (16, 32, 128)
RADII2 = (0.2, 0.4, 0.8)
NS2 = (32, 64, 128)
K_FP = 3
B, N = 4, 4096


def _mlp(params, x, mask=None):
    for layer in params:
        x = x @ layer['W'].T
        if 'gamma' in layer:
            axes = tuple(range(x.ndim - 1))
            if mask is None:
                mean = jnp.mean(x, axis=axes)
                var = jnp.mean((x - mean) ** 2, axis=axes)
        else:
            x = x + layer['b']
            continue
        if mask is None:
            pass
        else:
            m = mask[..., None].astype(x.dtype)
            cnt = jnp.maximum(jnp.sum(m), 1.0)
            mean = jnp.sum(x * m, axis=axes) / cnt
            var = jnp.sum(((x - mean) ** 2) * m, axis=axes) / cnt
        x = layer['gamma'] * (x - mean) / jnp.sqrt(var + 1e-5) + layer['beta']
        x = jax.nn.relu(x)
    return x


def _fps_body(x_ref, y_ref, z_ref, px_ref, py_ref, pz_ref, *, n):
    X = x_ref[...]
    Y = y_ref[...]
    Z = z_ref[...]
    npts = X.shape[1]
    iota = jax.lax.broadcasted_iota(jnp.int32, X.shape, 1)
    iota_n = jax.lax.broadcasted_iota(jnp.int32, (X.shape[0], n), 1)
    cx0 = X[:, 0:1]
    cy0 = Y[:, 0:1]
    cz0 = Z[:, 0:1]
    accx0 = jnp.where(iota_n == 0, cx0, 0.0)
    accy0 = jnp.where(iota_n == 0, cy0, 0.0)
    accz0 = jnp.where(iota_n == 0, cz0, 0.0)
    d0 = jnp.full(X.shape, jnp.inf, jnp.float32)

    def body(i, carry):
        d, cx, cy, cz, ax, ay, az = carry
        dx = X - cx
        dy = Y - cy
        dz = Z - cz
        nd = (dx * dx + dy * dy) + dz * dz
        d = jnp.minimum(d, nd)
        rowmax = jnp.max(d, axis=1, keepdims=True)
        idx = jnp.min(jnp.where(d == rowmax, iota, npts), axis=1, keepdims=True)
        sel = iota == idx
        cx = jnp.sum(jnp.where(sel, X, 0.0), axis=1, keepdims=True)
        cy = jnp.sum(jnp.where(sel, Y, 0.0), axis=1, keepdims=True)
        cz = jnp.sum(jnp.where(sel, Z, 0.0), axis=1, keepdims=True)
        here = iota_n == i
        ax = jnp.where(here, cx, ax)
        ay = jnp.where(here, cy, ay)
        az = jnp.where(here, cz, az)
        return (d, cx, cy, cz, ax, ay, az)

    carry = (d0, cx0, cy0, cz0, accx0, accy0, accz0)
    carry = jax.lax.fori_loop(1, n, body, carry)
    _, _, _, _, ax, ay, az = carry
    px_ref[...] = ax
    py_ref[...] = ay
    pz_ref[...] = az


def _fps_pos(pos, n):
    b = pos.shape[0]
    X = pos[:, :, 0]
    Y = pos[:, :, 1]
    Z = pos[:, :, 2]
    px, py, pz = pl.pallas_call(
        functools.partial(_fps_body, n=n),
        out_shape=[jax.ShapeDtypeStruct((b, n), jnp.float32)] * 3,
    )(X, Y, Z)
    return jnp.stack([px, py, pz], axis=-1)


def _qthr_body(c_ref, pt_ref, d2_ref, thr_ref, *, ks, rs2s):
    cb = c_ref[0]
    pb = pt_ref[0]
    dx = cb[:, 0:1] - pb[0:1, :]
    dy = cb[:, 1:2] - pb[1:2, :]
    dz = cb[:, 2:3] - pb[2:3, :]
    d2 = (dx * dx + dy * dy) + dz * dz
    d2_ref[0] = d2
    keys = lax.bitcast_convert_type(d2, jnp.int32)
    s = d2.shape[0]
    for j, (k, rs2) in enumerate(zip(ks, rs2s)):
        lo = jnp.full((s, 1), -1, jnp.int32)
        hi = jnp.full((s, 1), 0x40800000, jnp.int32)

        def bis_body(_, carry, k=k):
            lo, hi = carry
            mid = (lo + hi) >> 1
            cnt = jnp.sum((keys <= mid).astype(jnp.int32), axis=1, keepdims=True)
            ge = cnt >= k
            return (jnp.where(ge, lo, mid), jnp.where(ge, mid, hi))

        lo, hi = lax.fori_loop(0, 31, bis_body, (lo, hi))
        thr = lax.bitcast_convert_type(hi, jnp.float32)
        thr_ref[0, :, j:j + 1] = jnp.minimum(thr, jnp.float32(rs2))


_NW = 32


def _sc_compact(d2, thr, ks):
    b, s, n = d2.shape
    tpw = (b * s) // _NW
    kps = [k + 16 for k in ks]
    mesh = plsc.VectorSubcoreMesh(core_axis_name="c", subcore_axis_name="s")
    out_type = ([jax.ShapeDtypeStruct((b * s * kp,), jnp.int32) for kp in kps]
                + [jax.ShapeDtypeStruct((b * s * kp,), jnp.float32) for kp in kps])
    scratch = ([pltpu.VMEM((n,), jnp.float32), pltpu.VMEM((tpw * 8,), jnp.float32)]
               + [pltpu.VMEM(((tpw + 1) * kp,), jnp.int32) for kp in kps]
               + [pltpu.VMEM(((tpw + 1) * kp,), jnp.float32) for kp in kps])

    @functools.partial(pl.kernel, mesh=mesh, out_type=out_type,
                       scratch_types=scratch,
                       compiler_params=pltpu.CompilerParams(
                           needs_layout_passes=False))
    def k_fn(d2_hbm, thr_hbm, i1o, i2o, i3o, v1o, v2o, v3o,
             row_v, thr_v, s1, s2, s3, q1, q2, q3):
        wid = lax.axis_index("s") * 2 + lax.axis_index("c")
        t0 = wid * tpw
        bb = t0 // s
        i0 = t0 - bb * s
        pltpu.sync_copy(thr_hbm.at[pl.ds(t0 * 8, tpw * 8)], thr_v)
        iota = lax.broadcasted_iota(jnp.int32, (16,), 0)
        zeros16 = jnp.zeros((16,), jnp.int32)
        idx_st = (s1, s2, s3)
        val_st = (q1, q2, q3)

        def task_body(t, _):
            pltpu.sync_copy(d2_hbm.at[bb, i0 + t], row_v)
            for sidx, (k, kp) in enumerate(zip(ks, kps)):
                st = idx_st[sidx]
                qt = val_st[sidx]
                base = t * kp
                for g in range(kp // 16):
                    st[pl.ds(base + 16 * g, 16)] = zeros16
                thr_vec = plsc.load_gather(
                    thr_v, [jnp.full((16,), t * 8 + sidx, jnp.int32)])

                def scan_body(j, cnt):
                    v = row_v[pl.ds(j * 16, 16)]
                    m = v <= thr_vec
                    ivec = iota + j * 16
                    plsc.store_compressed(st.at[pl.ds(base + cnt, 16)], ivec,
                                          mask=m)
                    return cnt + jnp.sum(m.astype(jnp.int32))

                cnt = lax.fori_loop(0, n // 16, scan_body, 0)
                cnt_vec = jnp.full((16,), cnt, jnp.int32)
                for g in range(kp // 16):
                    m2 = (iota + 16 * g) < cnt_vec
                    qt[pl.ds(base + 16 * g, 16)] = jnp.where(m2, 1.0, 0.0)
            return 0

        lax.fori_loop(0, tpw, task_body, 0)
        outs = (i1o, i2o, i3o, v1o, v2o, v3o)
        sts = (s1, s2, s3, q1, q2, q3)
        for o, st, kp in zip(outs, sts, kps + kps):
            pltpu.sync_copy(st.at[pl.ds(0, tpw * kp)],
                            o.at[pl.ds(t0 * kp, tpw * kp)])

    outs = k_fn(d2, thr.reshape(-1))
    idxs = [o.reshape(b, s, kp)[:, :, :k]
            for o, k, kp in zip(outs[:3], ks, kps)]
    valids = [o.reshape(b, s, kp)[:, :, :k] > 0.5
              for o, k, kp in zip(outs[3:], ks, kps)]
    return idxs, valids


def _select_level(pos, pos_s, radii, ks):
    b, n, _ = pos.shape
    s = pos_s.shape[1]
    post = jnp.transpose(pos, (0, 2, 1))
    d2, thr = pl.pallas_call(
        functools.partial(_qthr_body, ks=ks, rs2s=[r * r for r in radii]),
        grid=(b,),
        in_specs=[
            pl.BlockSpec((1, s, 3), lambda i: (i, 0, 0)),
            pl.BlockSpec((1, 3, n), lambda i: (i, 0, 0)),
        ],
        out_specs=[
            pl.BlockSpec((1, s, n), lambda i: (i, 0, 0)),
            pl.BlockSpec((1, s, 8), lambda i: (i, 0, 0)),
        ],
        out_shape=[
            jax.ShapeDtypeStruct((b, s, n), jnp.float32),
            jax.ShapeDtypeStruct((b, s, 8), jnp.float32),
        ],
    )(pos_s, post)
    idxs, valids = [], []
    for r, k in zip(radii, ks):
        masked = jnp.where(d2 <= r * r, d2, jnp.inf)
        negv, idx = jax.lax.top_k(-masked, k)
        idxs.append(idx)
        valids.append(jnp.isfinite(negv))
    return idxs, valids


def _gather_b(x, idx):
    return jax.vmap(lambda a, i: a[i])(x, idx)


def _pointnet_conv(local_nn, x_src, pos_src, pos_dst, nbr_idx, valid):
    pos_j = _gather_b(pos_src, nbr_idx)
    rel = pos_j - pos_dst[:, :, None, :]
    x_j = _gather_b(x_src, nbr_idx)
    h = jnp.concatenate([x_j, rel], axis=-1)
    h = _mlp(local_nn, h, mask=valid)
    h = jnp.where(valid[..., None], h, -jnp.inf)
    out = jnp.max(h, axis=2)
    out = jnp.where(jnp.isfinite(out), out, 0.0)
    return out


def _multiscale_sa(convs, radii, ns, x, pos, pos_s):
    idxs, valids = _select_level(pos, pos_s, radii, ns)
    outs = []
    for nbr, valid, p in zip(idxs, valids, convs):
        outs.append(_pointnet_conv(p, x, pos, pos_s, nbr, valid))
    return jnp.concatenate(outs, axis=-1), pos_s


def _knn_body(posy_ref, posxt_ref, x_ref, o_ref, *, k):
    py = posy_ref[0]
    pxt = posxt_ref[0]
    xb = x_ref[0]
    m = py.shape[0]
    nx = pxt.shape[1]
    dx = py[:, 0:1] - pxt[0:1, :]
    dy = py[:, 1:2] - pxt[1:2, :]
    dz = py[:, 2:3] - pxt[2:3, :]
    d2 = (dx * dx + dy * dy) + dz * dz
    iota = jax.lax.broadcasted_iota(jnp.int32, d2.shape, 1)
    w = jnp.zeros_like(d2)
    s = jnp.zeros((m, 1), jnp.float32)
    d2w = d2
    for _ in range(k):
        v = jnp.min(d2w, axis=1, keepdims=True)
        i = jnp.min(jnp.where(d2w == v, iota, nx), axis=1, keepdims=True)
        here = iota == i
        wt = 1.0 / jnp.maximum(v, 1e-16)
        w = jnp.where(here, wt, w)
        s = s + wt
        d2w = jnp.where(here, jnp.inf, d2w)
    num = jnp.dot(w, xb, preferred_element_type=jnp.float32,
                  precision=jax.lax.Precision.HIGHEST)
    o_ref[0] = num / s


def _knn_interpolate(x, pos_x, pos_y, k):
    b, ny, _ = pos_y.shape
    nx = pos_x.shape[1]
    c = x.shape[-1]
    m = min(ny, 512)
    pos_xt = jnp.transpose(pos_x, (0, 2, 1))
    return pl.pallas_call(
        functools.partial(_knn_body, k=k),
        grid=(b, ny // m),
        in_specs=[
            pl.BlockSpec((1, m, 3), lambda i, j: (i, j, 0)),
            pl.BlockSpec((1, 3, nx), lambda i, j: (i, 0, 0)),
            pl.BlockSpec((1, nx, c), lambda i, j: (i, 0, 0)),
        ],
        out_specs=pl.BlockSpec((1, m, c), lambda i, j: (i, j, 0)),
        out_shape=jax.ShapeDtypeStruct((b, ny, c), jnp.float32),
    )(pos_y, pos_xt, x)


def _copy_kernel(x_ref, o_ref):
    o_ref[...] = x_ref[...]


def _pl_identity(x):
    return pl.pallas_call(
        _copy_kernel,
        out_shape=jax.ShapeDtypeStruct(x.shape, x.dtype),
    )(x)


def kernel(pts, params):
    pos = pts
    x0 = pos
    pos1_s = _fps_pos(pos, N1)
    x1, pos1 = _multiscale_sa(params['sa1'], RADII1, NS1, x0, pos, pos1_s)
    pos2_s = _fps_pos(pos1, N2)
    x2, pos2 = _multiscale_sa(params['sa2'], RADII2, NS2, x1, pos1, pos2_s)
    g = _mlp(params['glob'], jnp.max(x2, axis=1))
    x1_up = _knn_interpolate(x2, pos2, pos1, K_FP)
    x1_fp = _mlp(params['fp1'], jnp.concatenate([x1_up, x1], axis=-1))
    x0_up = _knn_interpolate(x1_fp, pos1, pos, K_FP)
    F = _mlp(params['fp0'], jnp.concatenate([x0_up, x0], axis=-1))
    F = _pl_identity(F)
    return (F, g)

# --- scband reference (transcript-rebuilt; emitter-appended) ---
"""Pipeline reference for scband-pn2-geometry-encoder-msg-58463094833337 (READ-ONLY COPY).

The authoritative reference and input builder live on the scoring server;
editing this copy changes nothing except your own understanding.
"""

import jax, jax.numpy as jnp
import numpy as np

IN_C = 3
CGEO = 256
N1 = 512
N2 = 128
RADII1 = (0.1, 0.2, 0.4)
NS1 = (16, 32, 128)
MLPS1 = ((32, 32, 64), (64, 64, 128), (64, 96, 128))
RADII2 = (0.2, 0.4, 0.8)
NS2 = (32, 64, 128)
MLPS2 = ((64, 64, 128), (128, 128, 256), (128, 128, 256))
K_FP = 3
B, N = 4, 4096


def make_mlp_params(key, ch, last_relu=True):
    params = []
    for i in range(len(ch) - 1):
        key, k1 = jax.random.split(key)
        is_last = i == len(ch) - 2
        W = jax.random.normal(k1, (ch[i + 1], ch[i]), dtype=jnp.float32) * 0.05
        if is_last and (not last_relu):
            params.append({'W': W, 'b': jnp.zeros((ch[i + 1],), jnp.float32)})
        else:
            params.append({'W': W, 'gamma': jnp.ones((ch[i + 1],), jnp.float32), 'beta': jnp.zeros((ch[i + 1],), jnp.float32)})
    return params


def apply_mlp(params, x, mask=None):
    for layer in params:
        x = x @ layer['W'].T
        if 'gamma' in layer:
            axes = tuple(range(x.ndim - 1))
            if mask is None:
                mean = jnp.mean(x, axis=axes)
                var = jnp.mean((x - mean) ** 2, axis=axes)
            else:
                m = mask[..., None].astype(x.dtype)
                cnt = jnp.maximum(jnp.sum(m), 1.0)
                mean = jnp.sum(x * m, axis=axes) / cnt
                var = jnp.sum(((x - mean) ** 2) * m, axis=axes) / cnt
            x = layer['gamma'] * (x - mean) / jnp.sqrt(var + 1e-5) + layer['beta']
            x = jax.nn.relu(x)
        else:
            x = x + layer['b']
    return x


def fps_batched(pos, n):
    def one(p):
        npts = p.shape[0]
        sel = jnp.zeros((n,), jnp.int32)
        d = jnp.full((npts,), jnp.inf, jnp.float32)

        def body(i, carry):
            d, sel = carry
            last = p[sel[i - 1]]
            nd = jnp.sum((p - last) ** 2, axis=-1)
            d = jnp.minimum(d, nd)
            sel = sel.at[i].set(jnp.argmax(d).astype(jnp.int32))
            return (d, sel)

        d, sel = jax.lax.fori_loop(1, n, body, (d, sel))
        return sel
    return jax.vmap(one)(pos)


def radius_neighbors(points, centers, r, k):
    d2 = jnp.sum((centers[:, :, None, :] - points[:, None, :, :]) ** 2, axis=-1)
    masked = jnp.where(d2 <= r * r, d2, jnp.inf)
    negv, idx = jax.lax.top_k(-masked, k)
    valid = jnp.isfinite(negv)
    return idx, valid


def gather_b(x, idx):
    return jax.vmap(lambda a, i: a[i])(x, idx)


def pointnet_conv(local_nn, x_src, pos_src, pos_dst, nbr_idx, valid):
    pos_j = gather_b(pos_src, nbr_idx)
    rel = pos_j - pos_dst[:, :, None, :]
    x_j = gather_b(x_src, nbr_idx)
    h = jnp.concatenate([x_j, rel], axis=-1)
    h = apply_mlp(local_nn, h, mask=valid)
    h = jnp.where(valid[..., None], h, -jnp.inf)
    out = jnp.max(h, axis=2)
    out = jnp.where(jnp.isfinite(out), out, 0.0)
    return out


def multiscale_sa(convs, radii, ns, x, pos, idx):
    pos_s = gather_b(pos, idx)
    outs = []
    for r, k, p in zip(radii, ns, convs):
        nbr, valid = radius_neighbors(pos, pos_s, r, k)
        outs.append(pointnet_conv(p, x, pos, pos_s, nbr, valid))
    return jnp.concatenate(outs, axis=-1), pos_s


def knn_interpolate(x, pos_x, pos_y, k):
    d2 = jnp.sum((pos_y[:, :, None, :] - pos_x[:, None, :, :]) ** 2, axis=-1)
    negv, idx = jax.lax.top_k(-d2, k)
    w = 1.0 / jnp.maximum(-negv, 1e-16)
    xk = gather_b(x, idx)
    return jnp.sum(w[..., None] * xk, axis=2) / jnp.sum(w, axis=2)[..., None]


def forward(pts, params):
    pos = pts
    x0 = pos
    idx1 = fps_batched(pos, N1)
    x1, pos1 = multiscale_sa(params['sa1'], RADII1, NS1, x0, pos, idx1)
    idx2 = fps_batched(pos1, N2)
    x2, pos2 = multiscale_sa(params['sa2'], RADII2, NS2, x1, pos1, idx2)
    g = apply_mlp(params['glob'], jnp.max(x2, axis=1))
    x1_up = knn_interpolate(x2, pos2, pos1, K_FP)
    x1_fp = apply_mlp(params['fp1'], jnp.concatenate([x1_up, x1], axis=-1))
    x0_up = knn_interpolate(x1_fp, pos1, pos, K_FP)
    F = apply_mlp(params['fp0'], jnp.concatenate([x0_up, x0], axis=-1))
    return (F, g)


def setup_inputs(seed: int = 0) -> dict:
    key = jax.random.key(seed)
    k_pts, k_p = jax.random.split(key)
    pts = jax.random.uniform(k_pts, (B, N, 3), dtype=jnp.float32)
    keys = jax.random.split(k_p, 16)
    c1 = sum(m[-1] for m in MLPS1)
    c2 = sum(m[-1] for m in MLPS2)
    params = {
        'sa1': [make_mlp_params(keys[i], [IN_C + 3] + list(m)) for i, m in enumerate(MLPS1)],
        'sa2': [make_mlp_params(keys[3 + i], [c1 + 3] + list(m)) for i, m in enumerate(MLPS2)],
        'glob': make_mlp_params(keys[6], [c2, 512, CGEO], last_relu=False),
        'fp1': make_mlp_params(keys[7], [c2 + c1, 256, 256]),
        'fp0': make_mlp_params(keys[8], [256 + IN_C, 256, CGEO], last_relu=False),
    }
    return {'pts': pts, 'params': params}


def reference(pts, params):
    return forward(pts, params)

if __name__ == "__main__":
    import jax
    _d = setup_inputs()
    print(jax.jit(kernel)(*tuple(_d.values())))

</pallas_src>

<mosaic_0001>
module attributes {stable_mosaic.version = 14 : i64} {
  func.func @_fps_body(%arg0: memref<4x4096xf32, #tpu.memory_space<vmem>>, %arg1: memref<4x4096xf32, #tpu.memory_space<vmem>>, %arg2: memref<4x4096xf32, #tpu.memory_space<vmem>>, %arg3: memref<4x512xf32, #tpu.memory_space<vmem>>, %arg4: memref<4x512xf32, #tpu.memory_space<vmem>>, %arg5: memref<4x512xf32, #tpu.memory_space<vmem>>) attributes {dimension_semantics = [], scalar_prefetch = 0 : i64, scratch_operands = 0 : i64, tpu.core_type = #tpu.core_type<tc>} {
    %get3A = arith.constant 0 : index
    %get3A_0 = arith.constant 0 : index
    %get3A_1 = vector.load %arg0[%get3A, %get3A_0] : memref<4x4096xf32, #tpu.memory_space<vmem>>, vector<4x4096xf32>
    %get3A_2 = arith.constant 0 : index
    %get3A_3 = arith.constant 0 : index
    %get3A_4 = vector.load %arg1[%get3A_2, %get3A_3] : memref<4x4096xf32, #tpu.memory_space<vmem>>, vector<4x4096xf32>
    %get3A_5 = arith.constant 0 : index
    %get3A_6 = arith.constant 0 : index
    %get3A_7 = vector.load %arg2[%get3A_5, %get3A_6] : memref<4x4096xf32, #tpu.memory_space<vmem>>, vector<4x4096xf32>
    %iota3A = tpu.iota {dimensions = array<i32: 1>} : vector<4x4096xi32>
    %iota3A_8 = tpu.iota {dimensions = array<i32: 1>} : vector<4x512xi32>
    %slice3A = vector.extract_strided_slice %get3A_1 {offsets = [0, 0], sizes = [4, 1], strides = [1, 1]} : vector<4x4096xf32> to vector<4x1xf32>
    %slice3A_9 = vector.extract_strided_slice %get3A_4 {offsets = [0, 0], sizes = [4, 1], strides = [1, 1]} : vector<4x4096xf32> to vector<4x1xf32>
    %slice3A_10 = vector.extract_strided_slice %get3A_7 {offsets = [0, 0], sizes = [4, 1], strides = [1, 1]} : vector<4x4096xf32> to vector<4x1xf32>
    %eq3A = arith.constant 0 : i32
    %eq3A_11 = vector.broadcast %eq3A : i32 to vector<4x512xi32>
    %eq3A_12 = arith.cmpi eq, %iota3A_8, %eq3A_11 : vector<4x512xi32>
    %jit3A = arith.constant 0.000000e+00 : f32
    %broadcast_in_dim3A = vector.shape_cast %slice3A : vector<4x1xf32> to vector<4x1xf32>
    %broadcast_in_dim3A_13 = vector.broadcast %broadcast_in_dim3A : vector<4x1xf32> to vector<4x512xf32>
    %broadcast_in_dim3A_14 = vector.broadcast %jit3A : f32 to vector<4x512xf32>
    %select_n3A = arith.select %eq3A_12, %broadcast_in_dim3A_13, %broadcast_in_dim3A_14 : vector<4x512xi1>, vector<4x512xf32>
    %eq3A_15 = arith.constant 0 : i32
    %eq3A_16 = vector.broadcast %eq3A_15 : i32 to vector<4x512xi32>
    %eq3A_17 = arith.cmpi eq, %iota3A_8, %eq3A_16 : vector<4x512xi32>
    %jit3A_18 = arith.constant 0.000000e+00 : f32
    %broadcast_in_dim3A_19 = vector.shape_cast %slice3A_9 : vector<4x1xf32> to vector<4x1xf32>
    %broadcast_in_dim3A_20 = vector.broadcast %broadcast_in_dim3A_19 : vector<4x1xf32> to vector<4x512xf32>
    %broadcast_in_dim3A_21 = vector.broadcast %jit3A_18 : f32 to vector<4x512xf32>
    %select_n3A_22 = arith.select %eq3A_17, %broadcast_in_dim3A_20, %broadcast_in_dim3A_21 : vector<4x512xi1>, vector<4x512xf32>
    %eq3A_23 = arith.constant 0 : i32
    %eq3A_24 = vector.broadcast %eq3A_23 : i32 to vector<4x512xi32>
    %eq3A_25 = arith.cmpi eq, %iota3A_8, %eq3A_24 : vector<4x512xi32>
    %jit3A_26 = arith.constant 0.000000e+00 : f32
    %broadcast_in_dim3A_27 = vector.shape_cast %slice3A_10 : vector<4x1xf32> to vector<4x1xf32>
    %broadcast_in_dim3A_28 = vector.broadcast %broadcast_in_dim3A_27 : vector<4x1xf32> to vector<4x512xf32>
    %broadcast_in_dim3A_29 = vector.broadcast %jit3A_26 : f32 to vector<4x512xf32>
    %select_n3A_30 = arith.select %eq3A_25, %broadcast_in_dim3A_28, %broadcast_in_dim3A_29 : vector<4x512xi1>, vector<4x512xf32>
    %broadcast_in_dim3A_31 = arith.constant 0x7F800000 : f32
    %broadcast_in_dim3A_32 = vector.broadcast %broadcast_in_dim3A_31 : f32 to vector<4x4096xf32>
    %scan3A = arith.constant 1 : i32
    %scan3A_33 = arith.constant 511 : i32
    %scan3A_34 = arith.addi %scan3A, %scan3A_33 : i32
    %scan3A_35 = arith.constant 1 : i32
    %scan3A_36:7 = scf.for %scan3A_46 = %scan3A to %scan3A_34 step %scan3A_35 iter_args(%scan3A_47 = %broadcast_in_dim3A_32, %scan3A_48 = %slice3A, %scan3A_49 = %slice3A_9, %scan3A_50 = %slice3A_10, %scan3A_51 = %select_n3A, %scan3A_52 = %select_n3A_22, %scan3A_53 = %select_n3A_30) -> (vector<4x4096xf32>, vector<4x1xf32>, vector<4x1xf32>, vector<4x1xf32>, vector<4x512xf32>, vector<4x512xf32>, vector<4x512xf32>)  : i32 {
      %sub3A = vector.broadcast %scan3A_48 : vector<4x1xf32> to vector<4x4096xf32>
      %sub3A_54 = arith.subf %get3A_1, %sub3A : vector<4x4096xf32>
      %sub3A_55 = vector.broadcast %scan3A_49 : vector<4x1xf32> to vector<4x4096xf32>
      %sub3A_56 = arith.subf %get3A_4, %sub3A_55 : vector<4x4096xf32>
      %sub3A_57 = vector.broadcast %scan3A_50 : vector<4x1xf32> to vector<4x4096xf32>
      %sub3A_58 = arith.subf %get3A_7, %sub3A_57 : vector<4x4096xf32>
      %mul3A = arith.mulf %sub3A_54, %sub3A_54 : vector<4x4096xf32>
      %mul3A_59 = arith.mulf %sub3A_56, %sub3A_56 : vector<4x4096xf32>
      %add3A = arith.addf %mul3A, %mul3A_59 : vector<4x4096xf32>
      %mul3A_60 = arith.mulf %sub3A_58, %sub3A_58 : vector<4x4096xf32>
      %add3A_61 = arith.addf %add3A, %mul3A_60 : vector<4x4096xf32>
      %min3A = arith.minimumf %scan3A_47, %add3A_61 : vector<4x4096xf32>
      %reduce_max3A = arith.constant dense<0xFF800000> : vector<4xf32>
      %reduce_max3A_62 = vector.multi_reduction <maximumf>, %min3A, %reduce_max3A [1] : vector<4x4096xf32> to vector<4xf32>
      %broadcast_in_dim3A_63 = vector.shape_cast %reduce_max3A_62 : vector<4xf32> to vector<4x1xf32>
      %eq3A_64 = vector.broadcast %broadcast_in_dim3A_63 : vector<4x1xf32> to vector<4x4096xf32>
      %eq3A_65 = arith.cmpf oeq, %min3A, %eq3A_64 : vector<4x4096xf32>
      %jit3A_66 = arith.constant 4096 : i32
      %broadcast_in_dim3A_67 = vector.broadcast %jit3A_66 : i32 to vector<4x4096xi32>
      %select_n3A_68 = arith.select %eq3A_65, %iota3A, %broadcast_in_dim3A_67 : vector<4x4096xi1>, vector<4x4096xi32>
      %reduce_min3A = arith.constant dense<2147483647> : vector<4xi32>
      %reduce_min3A_69 = vector.multi_reduction <minsi>, %select_n3A_68, %reduce_min3A [1] : vector<4x4096xi32> to vector<4xi32>
      %broadcast_in_dim3A_70 = vector.shape_cast %reduce_min3A_69 : vector<4xi32> to vector<4x1xi32>
      %eq3A_71 = vector.broadcast %broadcast_in_dim3A_70 : vector<4x1xi32> to vector<4x4096xi32>
      %eq3A_72 = arith.cmpi eq, %iota3A, %eq3A_71 : vector<4x4096xi32>
      %jit3A_73 = arith.constant 0.000000e+00 : f32
      %broadcast_in_dim3A_74 = vector.broadcast %jit3A_73 : f32 to vector<4x4096xf32>
      %select_n3A_75 = arith.select %eq3A_72, %get3A_1, %broadcast_in_dim3A_74 : vector<4x4096xi1>, vector<4x4096xf32>
      %reduce_sum3A = arith.constant dense<0.000000e+00> : vector<4xf32>
      %reduce_sum3A_76 = vector.multi_reduction <add>, %select_n3A_75, %reduce_sum3A [1] : vector<4x4096xf32> to vector<4xf32>
      %broadcast_in_dim3A_77 = vector.shape_cast %reduce_sum3A_76 : vector<4xf32> to vector<4x1xf32>
      %jit3A_78 = arith.constant 0.000000e+00 : f32
      %broadcast_in_dim3A_79 = vector.broadcast %jit3A_78 : f32 to vector<4x4096xf32>
      %select_n3A_80 = arith.select %eq3A_72, %get3A_4, %broadcast_in_dim3A_79 : vector<4x4096xi1>, vector<4x4096xf32>
      %reduce_sum3A_81 = arith.constant dense<0.000000e+00> : vector<4xf32>
      %reduce_sum3A_82 = vector.multi_reduction <add>, %select_n3A_80, %reduce_sum3A_81 [1] : vector<4x4096xf32> to vector<4xf32>
      %broadcast_in_dim3A_83 = vector.shape_cast %reduce_sum3A_82 : vector<4xf32> to vector<4x1xf32>
      %jit3A_84 = arith.constant 0.000000e+00 : f32
      %broadcast_in_dim3A_85 = vector.broadcast %jit3A_84 : f32 to vector<4x4096xf32>
      %select_n3A_86 = arith.select %eq3A_72, %get3A_7, %broadcast_in_dim3A_85 : vector<4x4096xi1>, vector<4x4096xf32>
      %reduce_sum3A_87 = arith.constant dense<0.000000e+00> : vector<4xf32>
      %reduce_sum3A_88 = vector.multi_reduction <add>, %select_n3A_86, %reduce_sum3A_87 [1] : vector<4x4096xf32> to vector<4xf32>
      %broadcast_in_dim3A_89 = vector.shape_cast %reduce_sum3A_88 : vector<4xf32> to vector<4x1xf32>
      %eq3A_90 = vector.broadcast %scan3A_46 : i32 to vector<4x512xi32>
      %eq3A_91 = arith.cmpi eq, %iota3A_8, %eq3A_90 : vector<4x512xi32>
      %broadcast_in_dim3A_92 = vector.shape_cast %broadcast_in_dim3A_77 : vector<4x1xf32> to vector<4x1xf32>
      %broadcast_in_dim3A_93 = vector.broadcast %broadcast_in_dim3A_92 : vector<4x1xf32> to vector<4x512xf32>
      %select_n3A_94 = arith.select %eq3A_91, %broadcast_in_dim3A_93, %scan3A_51 : vector<4x512xi1>, vector<4x512xf32>
      %broadcast_in_dim3A_95 = vector.shape_cast %broadcast_in_dim3A_83 : vector<4x1xf32> to vector<4x1xf32>
      %broadcast_in_dim3A_96 = vector.broadcast %broadcast_in_dim3A_95 : vector<4x1xf32> to vector<4x512xf32>
      %select_n3A_97 = arith.select %eq3A_91, %broadcast_in_dim3A_96, %scan3A_52 : vector<4x512xi1>, vector<4x512xf32>
      %broadcast_in_dim3A_98 = vector.shape_cast %broadcast_in_dim3A_89 : vector<4x1xf32> to vector<4x1xf32>
      %broadcast_in_dim3A_99 = vector.broadcast %broadcast_in_dim3A_98 : vector<4x1xf32> to vector<4x512xf32>
      %select_n3A_100 = arith.select %eq3A_91, %broadcast_in_dim3A_99, %scan3A_53 : vector<4x512xi1>, vector<4x512xf32>
      scf.yield %min3A, %broadcast_in_dim3A_77, %broadcast_in_dim3A_83, %broadcast_in_dim3A_89, %select_n3A_94, %select_n3A_97, %select_n3A_100 : vector<4x4096xf32>, vector<4x1xf32>, vector<4x1xf32>, vector<4x1xf32>, vector<4x512xf32>, vector<4x512xf32>, vector<4x512xf32>
    }
    %scan3A_37 = arith.constant 511 : i32
    %swap3A = arith.constant 0 : index
    %swap3A_38 = arith.constant 0 : index
    %swap3A_39 = vector.load %arg3[%swap3A, %swap3A_38] : memref<4x512xf32, #tpu.memory_space<vmem>>, vector<4x512xf32>
    tpu.vector_store %arg3[%swap3A, %swap3A_38], %scan3A_36#4 {strides = array<i32>} : memref<4x512xf32, #tpu.memory_space<vmem>>, vector<4x512xf32>,
    %swap3A_40 = arith.constant 0 : index
    %swap3A_41 = arith.constant 0 : index
    %swap3A_42 = vector.load %arg4[%swap3A_40, %swap3A_41] : memref<4x512xf32, #tpu.memory_space<vmem>>, vector<4x512xf32>
    tpu.vector_store %arg4[%swap3A_40, %swap3A_41], %scan3A_36#5 {strides = array<i32>} : memref<4x512xf32, #tpu.memory_space<vmem>>, vector<4x512xf32>,
    %swap3A_43 = arith.constant 0 : index
    %swap3A_44 = arith.constant 0 : index
    %swap3A_45 = vector.load %arg5[%swap3A_43, %swap3A_44] : memref<4x512xf32, #tpu.memory_space<vmem>>, vector<4x512xf32>
    tpu.vector_store %arg5[%swap3A_43, %swap3A_44], %scan3A_36#6 {strides = array<i32>} : memref<4x512xf32, #tpu.memory_space<vmem>>, vector<4x512xf32>,
    return
  }
}

module attributes {stable_mosaic.version = 14 : i64} {
  func.func @_fps_body(%arg0: memref<4x512xf32, #tpu.memory_space<vmem>>, %arg1: memref<4x512xf32, #tpu.memory_space<vmem>>, %arg2: memref<4x512xf32, #tpu.memory_space<vmem>>, %arg3: memref<4x128xf32, #tpu.memory_space<vmem>>, %arg4: memref<4x128xf32, #tpu.memory_space<vmem>>, %arg5: memref<4x128xf32, #tpu.memory_space<vmem>>) attributes {dimension_semantics = [], scalar_prefetch = 0 : i64, scratch_operands = 0 : i64, tpu.core_type = #tpu.core_type<tc>} {
    %get3A = arith.constant 0 : index
    %get3A_0 = arith.constant 0 : index
    %get3A_1 = vector.load %arg0[%get3A, %get3A_0] : memref<4x512xf32, #tpu.memory_space<vmem>>, vector<4x512xf32>
    %get3A_2 = arith.constant 0 : index
    %get3A_3 = arith.constant 0 : index
    %get3A_4 = vector.load %arg1[%get3A_2, %get3A_3] : memref<4x512xf32, #tpu.memory_space<vmem>>, vector<4x512xf32>
    %get3A_5 = arith.constant 0 : index
    %get3A_6 = arith.constant 0 : index
    %get3A_7 = vector.load %arg2[%get3A_5, %get3A_6] : memref<4x512xf32, #tpu.memory_space<vmem>>, vector<4x512xf32>
    %iota3A = tpu.iota {dimensions = array<i32: 1>} : vector<4x512xi32>
    %iota3A_8 = tpu.iota {dimensions = array<i32: 1>} : vector<4x128xi32>
    %slice3A = vector.extract_strided_slice %get3A_1 {offsets = [0, 0], sizes = [4, 1], strides = [1, 1]} : vector<4x512xf32> to vector<4x1xf32>
    %slice3A_9 = vector.extract_strided_slice %get3A_4 {offsets = [0, 0], sizes = [4, 1], strides = [1, 1]} : vector<4x512xf32> to vector<4x1xf32>
    %slice3A_10 = vector.extract_strided_slice %get3A_7 {offsets = [0, 0], sizes = [4, 1], strides = [1, 1]} : vector<4x512xf32> to vector<4x1xf32>
    %eq3A = arith.constant 0 : i32
    %eq3A_11 = vector.broadcast %eq3A : i32 to vector<4x128xi32>
    %eq3A_12 = arith.cmpi eq, %iota3A_8, %eq3A_11 : vector<4x128xi32>
    %jit3A = arith.constant 0.000000e+00 : f32
    %broadcast_in_dim3A = vector.shape_cast %slice3A : vector<4x1xf32> to vector<4x1xf32>
    %broadcast_in_dim3A_13 = vector.broadcast %broadcast_in_dim3A : vector<4x1xf32> to vector<4x128xf32>
    %broadcast_in_dim3A_14 = vector.broadcast %jit3A : f32 to vector<4x128xf32>
    %select_n3A = arith.select %eq3A_12, %broadcast_in_dim3A_13, %broadcast_in_dim3A_14 : vector<4x128xi1>, vector<4x128xf32>
    %eq3A_15 = arith.constant 0 : i32
    %eq3A_16 = vector.broadcast %eq3A_15 : i32 to vector<4x128xi32>
    %eq3A_17 = arith.cmpi eq, %iota3A_8, %eq3A_16 : vector<4x128xi32>
    %jit3A_18 = arith.constant 0.000000e+00 : f32
    %broadcast_in_dim3A_19 = vector.shape_cast %slice3A_9 : vector<4x1xf32> to vector<4x1xf32>
    %broadcast_in_dim3A_20 = vector.broadcast %broadcast_in_dim3A_19 : vector<4x1xf32> to vector<4x128xf32>
    %broadcast_in_dim3A_21 = vector.broadcast %jit3A_18 : f32 to vector<4x128xf32>
    %select_n3A_22 = arith.select %eq3A_17, %broadcast_in_dim3A_20, %broadcast_in_dim3A_21 : vector<4x128xi1>, vector<4x128xf32>
    %eq3A_23 = arith.constant 0 : i32
    %eq3A_24 = vector.broadcast %eq3A_23 : i32 to vector<4x128xi32>
    %eq3A_25 = arith.cmpi eq, %iota3A_8, %eq3A_24 : vector<4x128xi32>
    %jit3A_26 = arith.constant 0.000000e+00 : f32
    %broadcast_in_dim3A_27 = vector.shape_cast %slice3A_10 : vector<4x1xf32> to vector<4x1xf32>
    %broadcast_in_dim3A_28 = vector.broadcast %broadcast_in_dim3A_27 : vector<4x1xf32> to vector<4x128xf32>
    %broadcast_in_dim3A_29 = vector.broadcast %jit3A_26 : f32 to vector<4x128xf32>
    %select_n3A_30 = arith.select %eq3A_25, %broadcast_in_dim3A_28, %broadcast_in_dim3A_29 : vector<4x128xi1>, vector<4x128xf32>
    %broadcast_in_dim3A_31 = arith.constant 0x7F800000 : f32
    %broadcast_in_dim3A_32 = vector.broadcast %broadcast_in_dim3A_31 : f32 to vector<4x512xf32>
    %scan3A = arith.constant 1 : i32
    %scan3A_33 = arith.constant 127 : i32
    %scan3A_34 = arith.addi %scan3A, %scan3A_33 : i32
    %scan3A_35 = arith.constant 1 : i32
    %scan3A_36:7 = scf.for %scan3A_46 = %scan3A to %scan3A_34 step %scan3A_35 iter_args(%scan3A_47 = %broadcast_in_dim3A_32, %scan3A_48 = %slice3A, %scan3A_49 = %slice3A_9, %scan3A_50 = %slice3A_10, %scan3A_51 = %select_n3A, %scan3A_52 = %select_n3A_22, %scan3A_53 = %select_n3A_30) -> (vector<4x512xf32>, vector<4x1xf32>, vector<4x1xf32>, vector<4x1xf32>, vector<4x128xf32>, vector<4x128xf32>, vector<4x128xf32>)  : i32 {
      %sub3A = vector.broadcast %scan3A_48 : vector<4x1xf32> to vector<4x512xf32>
      %sub3A_54 = arith.subf %get3A_1, %sub3A : vector<4x512xf32>
      %sub3A_55 = vector.broadcast %scan3A_49 : vector<4x1xf32> to vector<4x512xf32>
      %sub3A_56 = arith.subf %get3A_4, %sub3A_55 : vector<4x512xf32>
      %sub3A_57 = vector.broadcast %scan3A_50 : vector<4x1xf32> to vector<4x512xf32>
      %sub3A_58 = arith.subf %get3A_7, %sub3A_57 : vector<4x512xf32>
      %mul3A = arith.mulf %sub3A_54, %sub3A_54 : vector<4x512xf32>
      %mul3A_59 = arith.mulf %sub3A_56, %sub3A_56 : vector<4x512xf32>
      %add3A = arith.addf %mul3A, %mul3A_59 : vector<4x512xf32>
      %mul3A_60 = arith.mulf %sub3A_58, %sub3A_58 : vector<4x512xf32>
      %add3A_61 = arith.addf %add3A, %mul3A_60 : vector<4x512xf32>
      %min3A = arith.minimumf %scan3A_47, %add3A_61 : vector<4x512xf32>
      %reduce_max3A = arith.constant dense<0xFF800000> : vector<4xf32>
      %reduce_max3A_62 = vector.multi_reduction <maximumf>, %min3A, %reduce_max3A [1] : vector<4x512xf32> to vector<4xf32>
      %broadcast_in_dim3A_63 = vector.shape_cast %reduce_max3A_62 : vector<4xf32> to vector<4x1xf32>
      %eq3A_64 = vector.broadcast %broadcast_in_dim3A_63 : vector<4x1xf32> to vector<4x512xf32>
      %eq3A_65 = arith.cmpf oeq, %min3A, %eq3A_64 : vector<4x512xf32>
      %jit3A_66 = arith.constant 512 : i32
      %broadcast_in_dim3A_67 = vector.broadcast %jit3A_66 : i32 to vector<4x512xi32>
      %select_n3A_68 = arith.select %eq3A_65, %iota3A, %broadcast_in_dim3A_67 : vector<4x512xi1>, vector<4x512xi32>
      %reduce_min3A = arith.constant dense<2147483647> : vector<4xi32>
      %reduce_min3A_69 = vector.multi_reduction <minsi>, %select_n3A_68, %reduce_min3A [1] : vector<4x512xi32> to vector<4xi32>
      %broadcast_in_dim3A_70 = vector.shape_cast %reduce_min3A_69 : vector<4xi32> to vector<4x1xi32>
      %eq3A_71 = vector.broadcast %broadcast_in_dim3A_70 : vector<4x1xi32> to vector<4x512xi32>
      %eq3A_72 = arith.cmpi eq, %iota3A, %eq3A_71 : vector<4x512xi32>
      %jit3A_73 = arith.constant 0.000000e+00 : f32
      %broadcast_in_dim3A_74 = vector.broadcast %jit3A_73 : f32 to vector<4x512xf32>
      %select_n3A_75 = arith.select %eq3A_72, %get3A_1, %broadcast_in_dim3A_74 : vector<4x512xi1>, vector<4x512xf32>
      %reduce_sum3A = arith.constant dense<0.000000e+00> : vector<4xf32>
      %reduce_sum3A_76 = vector.multi_reduction <add>, %select_n3A_75, %reduce_sum3A [1] : vector<4x512xf32> to vector<4xf32>
      %broadcast_in_dim3A_77 = vector.shape_cast %reduce_sum3A_76 : vector<4xf32> to vector<4x1xf32>
      %jit3A_78 = arith.constant 0.000000e+00 : f32
      %broadcast_in_dim3A_79 = vector.broadcast %jit3A_78 : f32 to vector<4x512xf32>
      %select_n3A_80 = arith.select %eq3A_72, %get3A_4, %broadcast_in_dim3A_79 : vector<4x512xi1>, vector<4x512xf32>
      %reduce_sum3A_81 = arith.constant dense<0.000000e+00> : vector<4xf32>
      %reduce_sum3A_82 = vector.multi_reduction <add>, %select_n3A_80, %reduce_sum3A_81 [1] : vector<4x512xf32> to vector<4xf32>
      %broadcast_in_dim3A_83 = vector.shape_cast %reduce_sum3A_82 : vector<4xf32> to vector<4x1xf32>
      %jit3A_84 = arith.constant 0.000000e+00 : f32
      %broadcast_in_dim3A_85 = vector.broadcast %jit3A_84 : f32 to vector<4x512xf32>
      %select_n3A_86 = arith.select %eq3A_72, %get3A_7, %broadcast_in_dim3A_85 : vector<4x512xi1>, vector<4x512xf32>
      %reduce_sum3A_87 = arith.constant dense<0.000000e+00> : vector<4xf32>
      %reduce_sum3A_88 = vector.multi_reduction <add>, %select_n3A_86, %reduce_sum3A_87 [1] : vector<4x512xf32> to vector<4xf32>
      %broadcast_in_dim3A_89 = vector.shape_cast %reduce_sum3A_88 : vector<4xf32> to vector<4x1xf32>
      %eq3A_90 = vector.broadcast %scan3A_46 : i32 to vector<4x128xi32>
      %eq3A_91 = arith.cmpi eq, %iota3A_8, %eq3A_90 : vector<4x128xi32>
      %broadcast_in_dim3A_92 = vector.shape_cast %broadcast_in_dim3A_77 : vector<4x1xf32> to vector<4x1xf32>
      %broadcast_in_dim3A_93 = vector.broadcast %broadcast_in_dim3A_92 : vector<4x1xf32> to vector<4x128xf32>
      %select_n3A_94 = arith.select %eq3A_91, %broadcast_in_dim3A_93, %scan3A_51 : vector<4x128xi1>, vector<4x128xf32>
      %broadcast_in_dim3A_95 = vector.shape_cast %broadcast_in_dim3A_83 : vector<4x1xf32> to vector<4x1xf32>
      %broadcast_in_dim3A_96 = vector.broadcast %broadcast_in_dim3A_95 : vector<4x1xf32> to vector<4x128xf32>
      %select_n3A_97 = arith.select %eq3A_91, %broadcast_in_dim3A_96, %scan3A_52 : vector<4x128xi1>, vector<4x128xf32>
      %broadcast_in_dim3A_98 = vector.shape_cast %broadcast_in_dim3A_89 : vector<4x1xf32> to vector<4x1xf32>
      %broadcast_in_dim3A_99 = vector.broadcast %broadcast_in_dim3A_98 : vector<4x1xf32> to vector<4x128xf32>
      %select_n3A_100 = arith.select %eq3A_91, %broadcast_in_dim3A_99, %scan3A_53 : vector<4x128xi1>, vector<4x128xf32>
      scf.yield %min3A, %broadcast_in_dim3A_77, %broadcast_in_dim3A_83, %broadcast_in_dim3A_89, %select_n3A_94, %select_n3A_97, %select_n3A_100 : vector<4x512xf32>, vector<4x1xf32>, vector<4x1xf32>, vector<4x1xf32>, vector<4x128xf32>, vector<4x128xf32>, vector<4x128xf32>
    }
    %scan3A_37 = arith.constant 127 : i32
    %swap3A = arith.constant 0 : index
    %swap3A_38 = arith.constant 0 : index
    %swap3A_39 = vector.load %arg3[%swap3A, %swap3A_38] : memref<4x128xf32, #tpu.memory_space<vmem>>, vector<4x128xf32>
    tpu.vector_store %arg3[%swap3A, %swap3A_38], %scan3A_36#4 {strides = array<i32>} : memref<4x128xf32, #tpu.memory_space<vmem>>, vector<4x128xf32>,
    %swap3A_40 = arith.constant 0 : index
    %swap3A_41 = arith.constant 0 : index
    %swap3A_42 = vector.load %arg4[%swap3A_40, %swap3A_41] : memref<4x128xf32, #tpu.memory_space<vmem>>, vector<4x128xf32>
    tpu.vector_store %arg4[%swap3A_40, %swap3A_41], %scan3A_36#5 {strides = array<i32>} : memref<4x128xf32, #tpu.memory_space<vmem>>, vector<4x128xf32>,
    %swap3A_43 = arith.constant 0 : index
    %swap3A_44 = arith.constant 0 : index
    %swap3A_45 = vector.load %arg5[%swap3A_43, %swap3A_44] : memref<4x128xf32, #tpu.memory_space<vmem>>, vector<4x128xf32>
    tpu.vector_store %arg5[%swap3A_43, %swap3A_44], %scan3A_36#6 {strides = array<i32>} : memref<4x128xf32, #tpu.memory_space<vmem>>, vector<4x128xf32>,
    return
  }
}

module attributes {stable_mosaic.version = 14 : i64} {
  func.func @_qthr_body(%arg0: i32, %arg1: memref<1x512x3xf32, #tpu.memory_space<vmem>>, %arg2: memref<1x3x4096xf32, #tpu.memory_space<vmem>>, %arg3: memref<1x512x4096xf32, #tpu.memory_space<vmem>>, %arg4: memref<1x512x8xf32, #tpu.memory_space<vmem>>) attributes {dimension_semantics = [#tpu.dimension_semantics<arbitrary>], iteration_bounds = array<i64: 4>, scalar_prefetch = 0 : i64, scratch_operands = 0 : i64, tpu.core_type = #tpu.core_type<tc>, window_params = [{transform_indices = @transform_0, window_bounds = array<i64: 1, 512, 3>}, {transform_indices = @transform_1, window_bounds = array<i64: 1, 3, 4096>}, {transform_indices = @transform_2, window_bounds = array<i64: 1, 512, 4096>}, {transform_indices = @transform_3, window_bounds = array<i64: 1, 512, 8>}]} {
    %get3A = arith.constant 0 : index
    %get3A_0 = arith.constant 0 : index
    %get3A_1 = arith.constant 0 : index
    %get3A_2 = vector.load %arg1[%get3A, %get3A_0, %get3A_1] : memref<1x512x3xf32, #tpu.memory_space<vmem>>, vector<1x512x3xf32>
    %get3A_3 = vector.shape_cast %get3A_2 : vector<1x512x3xf32> to vector<512x3xf32>
    %get3A_4 = arith.constant 0 : index
    %get3A_5 = arith.constant 0 : index
    %get3A_6 = arith.constant 0 : index
    %get3A_7 = vector.load %arg2[%get3A_4, %get3A_5, %get3A_6] : memref<1x3x4096xf32, #tpu.memory_space<vmem>>, vector<1x3x4096xf32>
    %get3A_8 = vector.shape_cast %get3A_7 : vector<1x3x4096xf32> to vector<3x4096xf32>
    %slice3A = vector.extract_strided_slice %get3A_3 {offsets = [0, 0], sizes = [512, 1], strides = [1, 1]} : vector<512x3xf32> to vector<512x1xf32>
    %slice3A_9 = vector.extract_strided_slice %get3A_8 {offsets = [0, 0], sizes = [1, 4096], strides = [1, 1]} : vector<3x4096xf32> to vector<1x4096xf32>
    %sub3A = vector.broadcast %slice3A : vector<512x1xf32> to vector<512x4096xf32>
    %sub3A_10 = vector.broadcast %slice3A_9 : vector<1x4096xf32> to vector<512x4096xf32>
    %sub3A_11 = arith.subf %sub3A, %sub3A_10 : vector<512x4096xf32>
    %slice3A_12 = vector.extract_strided_slice %get3A_3 {offsets = [0, 1], sizes = [512, 1], strides = [1, 1]} : vector<512x3xf32> to vector<512x1xf32>
    %slice3A_13 = vector.extract_strided_slice %get3A_8 {offsets = [1, 0], sizes = [1, 4096], strides = [1, 1]} : vector<3x4096xf32> to vector<1x4096xf32>
    %sub3A_14 = vector.broadcast %slice3A_12 : vector<512x1xf32> to vector<512x4096xf32>
    %sub3A_15 = vector.broadcast %slice3A_13 : vector<1x4096xf32> to vector<512x4096xf32>
    %sub3A_16 = arith.subf %sub3A_14, %sub3A_15 : vector<512x4096xf32>
    %slice3A_17 = vector.extract_strided_slice %get3A_3 {offsets = [0, 2], sizes = [512, 1], strides = [1, 1]} : vector<512x3xf32> to vector<512x1xf32>
    %slice3A_18 = vector.extract_strided_slice %get3A_8 {offsets = [2, 0], sizes = [1, 4096], strides = [1, 1]} : vector<3x4096xf32> to vector<1x4096xf32>
    %sub3A_19 = vector.broadcast %slice3A_17 : vector<512x1xf32> to vector<512x4096xf32>
    %sub3A_20 = vector.broadcast %slice3A_18 : vector<1x4096xf32> to vector<512x4096xf32>
    %sub3A_21 = arith.subf %sub3A_19, %sub3A_20 : vector<512x4096xf32>
    %mul3A = arith.mulf %sub3A_11, %sub3A_11 : vector<512x4096xf32>
    %mul3A_22 = arith.mulf %sub3A_16, %sub3A_16 : vector<512x4096xf32>
    %add3A = arith.addf %mul3A, %mul3A_22 : vector<512x4096xf32>
    %mul3A_23 = arith.mulf %sub3A_21, %sub3A_21 : vector<512x4096xf32>
    %add3A_24 = arith.addf %add3A, %mul3A_23 : vector<512x4096xf32>
    %swap3A = arith.constant 0 : index
    %swap3A_25 = arith.constant 0 : index
    %swap3A_26 = arith.constant 0 : index
    %swap3A_27 = vector.load %arg3[%swap3A, %swap3A_25, %swap3A_26] : memref<1x512x4096xf32, #tpu.memory_space<vmem>>, vector<1x512x4096xf32>
    %swap3A_28 = vector.shape_cast %swap3A_27 : vector<1x512x4096xf32> to vector<512x4096xf32>
    %swap3A_29 = vector.shape_cast %add3A_24 : vector<512x4096xf32> to vector<1x512x4096xf32>
    tpu.vector_store %arg3[%swap3A, %swap3A_25, %swap3A_26], %swap3A_29 {strides = array<i32>} : memref<1x512x4096xf32, #tpu.memory_space<vmem>>, vector<1x512x4096xf32>,
    %bitcast_convert_type3A = tpu.bitcast %add3A_24 : vector<512x4096xf32> -> vector<512x4096xi32>
    %broadcast_in_dim3A = arith.constant -1 : i32
    %broadcast_in_dim3A_30 = vector.broadcast %broadcast_in_dim3A : i32 to vector<512x1xi32>
    %broadcast_in_dim3A_31 = arith.constant 1082130432 : i32
    %broadcast_in_dim3A_32 = vector.broadcast %broadcast_in_dim3A_31 : i32 to vector<512x1xi32>
    %scan3A = arith.constant 0 : i32
    %scan3A_33 = arith.constant 31 : i32
    %scan3A_34 = arith.addi %scan3A, %scan3A_33 : i32
    %scan3A_35 = arith.constant 1 : i32
    %scan3A_36:2 = scf.for %scan3A_84 = %scan3A to %scan3A_34 step %scan3A_35 iter_args(%scan3A_85 = %broadcast_in_dim3A_30, %scan3A_86 = %broadcast_in_dim3A_32) -> (vector<512x1xi32>, vector<512x1xi32>)  : i32 {
      %add3A_87 = arith.addi %scan3A_85, %scan3A_86 : vector<512x1xi32>
      %shift_right_arithmetic3A = arith.constant 1 : i32
      %shift_right_arithmetic3A_88 = vector.broadcast %shift_right_arithmetic3A : i32 to vector<512x1xi32>
      %shift_right_arithmetic3A_89 = arith.shrsi %add3A_87, %shift_right_arithmetic3A_88 : vector<512x1xi32>
      %le3A = vector.broadcast %shift_right_arithmetic3A_89 : vector<512x1xi32> to vector<512x4096xi32>
      %le3A_90 = arith.cmpi sle, %bitcast_convert_type3A, %le3A : vector<512x4096xi32>
      %convert_element_type3A = arith.extui %le3A_90 : vector<512x4096xi1> to vector<512x4096xi32>
      %reduce_sum3A = arith.constant dense<0> : vector<512xi32>
      %reduce_sum3A_91 = vector.multi_reduction <add>, %convert_element_type3A, %reduce_sum3A [1] : vector<512x4096xi32> to vector<512xi32>
      %broadcast_in_dim3A_92 = vector.shape_cast %reduce_sum3A_91 : vector<512xi32> to vector<512x1xi32>
      %ge3A = arith.constant 16 : i32
      %ge3A_93 = vector.broadcast %ge3A : i32 to vector<512x1xi32>
      %ge3A_94 = arith.cmpi sge, %broadcast_in_dim3A_92, %ge3A_93 : vector<512x1xi32>
      %select_n3A = arith.select %ge3A_94, %scan3A_85, %shift_right_arithmetic3A_89 : vector<512x1xi1>, vector<512x1xi32>
      %select_n3A_95 = arith.select %ge3A_94, %shift_right_arithmetic3A_89, %scan3A_86 : vector<512x1xi1>, vector<512x1xi32>
      scf.yield %select_n3A, %select_n3A_95 : vector<512x1xi32>, vector<512x1xi32>
    }
    %bitcast_convert_type3A_37 = tpu.bitcast %scan3A_36#1 : vector<512x1xi32> -> vector<512x1xf32>
    %min3A = arith.constant 0.00999999977 : f32
    %min3A_38 = vector.broadcast %min3A : f32 to vector<512x1xf32>
    %min3A_39 = arith.minimumf %bitcast_convert_type3A_37, %min3A_38 : vector<512x1xf32>
    %swap3A_40 = arith.constant 0 : index
    %swap3A_41 = arith.constant 0 : index
    %swap3A_42 = arith.constant 0 : index
    %swap3A_43 = vector.load %arg4[%swap3A_40, %swap3A_41, %swap3A_42] : memref<1x512x8xf32, #tpu.memory_space<vmem>>, vector<1x512x1xf32>
    %swap3A_44 = vector.shape_cast %swap3A_43 : vector<1x512x1xf32> to vector<512x1xf32>
    %swap3A_45 = vector.shape_cast %min3A_39 : vector<512x1xf32> to vector<1x512x1xf32>
    tpu.vector_store %arg4[%swap3A_40, %swap3A_41, %swap3A_42], %swap3A_45 {strides = array<i32>} : memref<1x512x8xf32, #tpu.memory_space<vmem>>, vector<1x512x1xf32>,
    %broadcast_in_dim3A_46 = arith.constant -1 : i32
    %broadcast_in_dim3A_47 = vector.broadcast %broadcast_in_dim3A_46 : i32 to vector<512x1xi32>
    %broadcast_in_dim3A_48 = arith.constant 1082130432 : i32
    %broadcast_in_dim3A_49 = vector.broadcast %broadcast_in_dim3A_48 : i32 to vector<512x1xi32>
    %scan3A_50 = arith.constant 0 : i32
    %scan3A_51 = arith.constant 31 : i32
    %scan3A_52 = arith.addi %scan3A_50, %scan3A_51 : i32
    %scan3A_53 = arith.constant 1 : i32
    %scan3A_54:2 = scf.for %scan3A_84 = %scan3A_50 to %scan3A_52 step %scan3A_53 iter_args(%scan3A_85 = %broadcast_in_dim3A_47, %scan3A_86 = %broadcast_in_dim3A_49) -> (vector<512x1xi32>, vector<512x1xi32>)  : i32 {
      %add3A_87 = arith.addi %scan3A_85, %scan3A_86 : vector<512x1xi32>
      %shift_right_arithmetic3A = arith.constant 1 : i32
      %shift_right_arithmetic3A_88 = vector.broadcast %shift_right_arithmetic3A : i32 to vector<512x1xi32>
      %shift_right_arithmetic3A_89 = arith.shrsi %add3A_87, %shift_right_arithmetic3A_88 : vector<512x1xi32>
      %le3A = vector.broadcast %shift_right_arithmetic3A_89 : vector<512x1xi32> to vector<512x4096xi32>
      %le3A_90 = arith.cmpi sle, %bitcast_convert_type3A, %le3A : vector<512x4096xi32>
      %convert_element_type3A = arith.extui %le3A_90 : vector<512x4096xi1> to vector<512x4096xi32>
      %reduce_sum3A = arith.constant dense<0> : vector<512xi32>
      %reduce_sum3A_91 = vector.multi_reduction <add>, %convert_element_type3A, %reduce_sum3A [1] : vector<512x4096xi32> to vector<512xi32>
      %broadcast_in_dim3A_92 = vector.shape_cast %reduce_sum3A_91 : vector<512xi32> to vector<512x1xi32>
      %ge3A = arith.constant 32 : i32
      %ge3A_93 = vector.broadcast %ge3A : i32 to vector<512x1xi32>
      %ge3A_94 = arith.cmpi sge, %broadcast_in_dim3A_92, %ge3A_93 : vector<512x1xi32>
      %select_n3A = arith.select %ge3A_94, %scan3A_85, %shift_right_arithmetic3A_89 : vector<512x1xi1>, vector<512x1xi32>
      %select_n3A_95 = arith.select %ge3A_94, %shift_right_arithmetic3A_89, %scan3A_86 : vector<512x1xi1>, vector<512x1xi32>
      scf.yield %select_n3A, %select_n3A_95 : vector<512x1xi32>, vector<512x1xi32>
    }
    %bitcast_convert_type3A_55 = tpu.bitcast %scan3A_54#1 : vector<512x1xi32> -> vector<512x1xf32>
    %min3A_56 = arith.constant 4.000000e-02 : f32
    %min3A_57 = vector.broadcast %min3A_56 : f32 to vector<512x1xf32>
    %min3A_58 = arith.minimumf %bitcast_convert_type3A_55, %min3A_57 : vector<512x1xf32>
    %swap3A_59 = arith.constant 0 : index
    %swap3A_60 = arith.constant 0 : index
    %swap3A_61 = arith.constant 1 : index
    %swap3A_62 = vector.load %arg4[%swap3A_59, %swap3A_60, %swap3A_61] : memref<1x512x8xf32, #tpu.memory_space<vmem>>, vector<1x512x1xf32>
    %swap3A_63 = vector.shape_cast %swap3A_62 : vector<1x512x1xf32> to vector<512x1xf32>
    %swap3A_64 = vector.shape_cast %min3A_58 : vector<512x1xf32> to vector<1x512x1xf32>
    tpu.vector_store %arg4[%swap3A_59, %swap3A_60, %swap3A_61], %swap3A_64 {strides = array<i32>} : memref<1x512x8xf32, #tpu.memory_space<vmem>>, vector<1x512x1xf32>,
    %broadcast_in_dim3A_65 = arith.constant -1 : i32
    %broadcast_in_dim3A_66 = vector.broadcast %broadcast_in_dim3A_65 : i32 to vector<512x1xi32>
    %broadcast_in_dim3A_67 = arith.constant 1082130432 : i32
    %broadcast_in_dim3A_68 = vector.broadcast %broadcast_in_dim3A_67 : i32 to vector<512x1xi32>
    %scan3A_69 = arith.constant 0 : i32
    %scan3A_70 = arith.constant 31 : i32
    %scan3A_71 = arith.addi %scan3A_69, %scan3A_70 : i32
    %scan3A_72 = arith.constant 1 : i32
    %scan3A_73:2 = scf.for %scan3A_84 = %scan3A_69 to %scan3A_71 step %scan3A_72 iter_args(%scan3A_85 = %broadcast_in_dim3A_66, %scan3A_86 = %broadcast_in_dim3A_68) -> (vector<512x1xi32>, vector<512x1xi32>)  : i32 {
      %add3A_87 = arith.addi %scan3A_85, %scan3A_86 : vector<512x1xi32>
      %shift_right_arithmetic3A = arith.constant 1 : i32
      %shift_right_arithmetic3A_88 = vector.broadcast %shift_right_arithmetic3A : i32 to vector<512x1xi32>
      %shift_right_arithmetic3A_89 = arith.shrsi %add3A_87, %shift_right_arithmetic3A_88 : vector<512x1xi32>
      %le3A = vector.broadcast %shift_right_arithmetic3A_89 : vector<512x1xi32> to vector<512x4096xi32>
      %le3A_90 = arith.cmpi sle, %bitcast_convert_type3A, %le3A : vector<512x4096xi32>
      %convert_element_type3A = arith.extui %le3A_90 : vector<512x4096xi1> to vector<512x4096xi32>
      %reduce_sum3A = arith.constant dense<0> : vector<512xi32>
      %reduce_sum3A_91 = vector.multi_reduction <add>, %convert_element_type3A, %reduce_sum3A [1] : vector<512x4096xi32> to vector<512xi32>
      %broadcast_in_dim3A_92 = vector.shape_cast %reduce_sum3A_91 : vector<512xi32> to vector<512x1xi32>
      %ge3A = arith.constant 128 : i32
      %ge3A_93 = vector.broadcast %ge3A : i32 to vector<512x1xi32>
      %ge3A_94 = arith.cmpi sge, %broadcast_in_dim3A_92, %ge3A_93 : vector<512x1xi32>
      %select_n3A = arith.select %ge3A_94, %scan3A_85, %shift_right_arithmetic3A_89 : vector<512x1xi1>, vector<512x1xi32>
      %select_n3A_95 = arith.select %ge3A_94, %shift_right_arithmetic3A_89, %scan3A_86 : vector<512x1xi1>, vector<512x1xi32>
      scf.yield %select_n3A, %select_n3A_95 : vector<512x1xi32>, vector<512x1xi32>
    }
    %bitcast_convert_type3A_74 = tpu.bitcast %scan3A_73#1 : vector<512x1xi32> -> vector<512x1xf32>
    %min3A_75 = arith.constant 1.600000e-01 : f32
    %min3A_76 = vector.broadcast %min3A_75 : f32 to vector<512x1xf32>
    %min3A_77 = arith.minimumf %bitcast_convert_type3A_74, %min3A_76 : vector<512x1xf32>
    %swap3A_78 = arith.constant 0 : index
    %swap3A_79 = arith.constant 0 : index
    %swap3A_80 = arith.constant 2 : index
    %swap3A_81 = vector.load %arg4[%swap3A_78, %swap3A_79, %swap3A_80] : memref<1x512x8xf32, #tpu.memory_space<vmem>>, vector<1x512x1xf32>
    %swap3A_82 = vector.shape_cast %swap3A_81 : vector<1x512x1xf32> to vector<512x1xf32>
    %swap3A_83 = vector.shape_cast %min3A_77 : vector<512x1xf32> to vector<1x512x1xf32>
    tpu.vector_store %arg4[%swap3A_78, %swap3A_79, %swap3A_80], %swap3A_83 {strides = array<i32>} : memref<1x512x8xf32, #tpu.memory_space<vmem>>, vector<1x512x1xf32>,
    return
  }
  func.func @transform_0(%arg0: i32) -> (i32, i32, i32) {
    %c0_i32 = arith.constant 0 : i32
    %c0_i32_0 = arith.constant 0 : i32
    %c0_i32_1 = arith.constant 0 : i32
    return %arg0, %c0_i32, %c0_i32_0 : i32, i32, i32
  }
  func.func @transform_1(%arg0: i32) -> (i32, i32, i32) {
    %c0_i32 = arith.constant 0 : i32
    %c0_i32_0 = arith.constant 0 : i32
    %c0_i32_1 = arith.constant 0 : i32
    return %arg0, %c0_i32, %c0_i32_0 : i32, i32, i32
  }
  func.func @transform_2(%arg0: i32) -> (i32, i32, i32) {
    %c0_i32 = arith.constant 0 : i32
    %c0_i32_0 = arith.constant 0 : i32
    %c0_i32_1 = arith.constant 0 : i32
    return %arg0, %c0_i32, %c0_i32_0 : i32, i32, i32
  }
  func.func @transform_3(%arg0: i32) -> (i32, i32, i32) {
    %c0_i32 = arith.constant 0 : i32
    %c0_i32_0 = arith.constant 0 : i32
    %c0_i32_1 = arith.constant 0 : i32
    return %arg0, %c0_i32, %c0_i32_0 : i32, i32, i32
  }
}

module attributes {stable_mosaic.version = 14 : i64} {
  func.func @_qthr_body(%arg0: i32, %arg1: memref<1x128x3xf32, #tpu.memory_space<vmem>>, %arg2: memref<1x3x512xf32, #tpu.memory_space<vmem>>, %arg3: memref<1x128x512xf32, #tpu.memory_space<vmem>>, %arg4: memref<1x128x8xf32, #tpu.memory_space<vmem>>) attributes {dimension_semantics = [#tpu.dimension_semantics<arbitrary>], iteration_bounds = array<i64: 4>, scalar_prefetch = 0 : i64, scratch_operands = 0 : i64, tpu.core_type = #tpu.core_type<tc>, window_params = [{transform_indices = @transform_0, window_bounds = array<i64: 1, 128, 3>}, {transform_indices = @transform_1, window_bounds = array<i64: 1, 3, 512>}, {transform_indices = @transform_2, window_bounds = array<i64: 1, 128, 512>}, {transform_indices = @transform_3, window_bounds = array<i64: 1, 128, 8>}]} {
    %get3A = arith.constant 0 : index
    %get3A_0 = arith.constant 0 : index
    %get3A_1 = arith.constant 0 : index
    %get3A_2 = vector.load %arg1[%get3A, %get3A_0, %get3A_1] : memref<1x128x3xf32, #tpu.memory_space<vmem>>, vector<1x128x3xf32>
    %get3A_3 = vector.shape_cast %get3A_2 : vector<1x128x3xf32> to vector<128x3xf32>
    %get3A_4 = arith.constant 0 : index
    %get3A_5 = arith.constant 0 : index
    %get3A_6 = arith.constant 0 : index
    %get3A_7 = vector.load %arg2[%get3A_4, %get3A_5, %get3A_6] : memref<1x3x512xf32, #tpu.memory_space<vmem>>, vector<1x3x512xf32>
    %get3A_8 = vector.shape_cast %get3A_7 : vector<1x3x512xf32> to vector<3x512xf32>
    %slice3A = vector.extract_strided_slice %get3A_3 {offsets = [0, 0], sizes = [128, 1], strides = [1, 1]} : vector<128x3xf32> to vector<128x1xf32>
    %slice3A_9 = vector.extract_strided_slice %get3A_8 {offsets = [0, 0], sizes = [1, 512], strides = [1, 1]} : vector<3x512xf32> to vector<1x512xf32>
    %sub3A = vector.broadcast %slice3A : vector<128x1xf32> to vector<128x512xf32>
    %sub3A_10 = vector.broadcast %slice3A_9 : vector<1x512xf32> to vector<128x512xf32>
    %sub3A_11 = arith.subf %sub3A, %sub3A_10 : vector<128x512xf32>
    %slice3A_12 = vector.extract_strided_slice %get3A_3 {offsets = [0, 1], sizes = [128, 1], strides = [1, 1]} : vector<128x3xf32> to vector<128x1xf32>
    %slice3A_13 = vector.extract_strided_slice %get3A_8 {offsets = [1, 0], sizes = [1, 512], strides = [1, 1]} : vector<3x512xf32> to vector<1x512xf32>
    %sub3A_14 = vector.broadcast %slice3A_12 : vector<128x1xf32> to vector<128x512xf32>
    %sub3A_15 = vector.broadcast %slice3A_13 : vector<1x512xf32> to vector<128x512xf32>
    %sub3A_16 = arith.subf %sub3A_14, %sub3A_15 : vector<128x512xf32>
    %slice3A_17 = vector.extract_strided_slice %get3A_3 {offsets = [0, 2], sizes = [128, 1], strides = [1, 1]} : vector<128x3xf32> to vector<128x1xf32>
    %slice3A_18 = vector.extract_strided_slice %get3A_8 {offsets = [2, 0], sizes = [1, 512], strides = [1, 1]} : vector<3x512xf32> to vector<1x512xf32>
    %sub3A_19 = vector.broadcast %slice3A_17 : vector<128x1xf32> to vector<128x512xf32>
    %sub3A_20 = vector.broadcast %slice3A_18 : vector<1x512xf32> to vector<128x512xf32>
    %sub3A_21 = arith.subf %sub3A_19, %sub3A_20 : vector<128x512xf32>
    %mul3A = arith.mulf %sub3A_11, %sub3A_11 : vector<128x512xf32>
    %mul3A_22 = arith.mulf %sub3A_16, %sub3A_16 : vector<128x512xf32>
    %add3A = arith.addf %mul3A, %mul3A_22 : vector<128x512xf32>
    %mul3A_23 = arith.mulf %sub3A_21, %sub3A_21 : vector<128x512xf32>
    %add3A_24 = arith.addf %add3A, %mul3A_23 : vector<128x512xf32>
    %swap3A = arith.constant 0 : index
    %swap3A_25 = arith.constant 0 : index
    %swap3A_26 = arith.constant 0 : index
    %swap3A_27 = vector.load %arg3[%swap3A, %swap3A_25, %swap3A_26] : memref<1x128x512xf32, #tpu.memory_space<vmem>>, vector<1x128x512xf32>
    %swap3A_28 = vector.shape_cast %swap3A_27 : vector<1x128x512xf32> to vector<128x512xf32>
    %swap3A_29 = vector.shape_cast %add3A_24 : vector<128x512xf32> to vector<1x128x512xf32>
    tpu.vector_store %arg3[%swap3A, %swap3A_25, %swap3A_26], %swap3A_29 {strides = array<i32>} : memref<1x128x512xf32, #tpu.memory_space<vmem>>, vector<1x128x512xf32>,
    %bitcast_convert_type3A = tpu.bitcast %add3A_24 : vector<128x512xf32> -> vector<128x512xi32>
    %broadcast_in_dim3A = arith.constant -1 : i32
    %broadcast_in_dim3A_30 = vector.broadcast %broadcast_in_dim3A : i32 to vector<128x1xi32>
    %broadcast_in_dim3A_31 = arith.constant 1082130432 : i32
    %broadcast_in_dim3A_32 = vector.broadcast %broadcast_in_dim3A_31 : i32 to vector<128x1xi32>
    %scan3A = arith.constant 0 : i32
    %scan3A_33 = arith.constant 31 : i32
    %scan3A_34 = arith.addi %scan3A, %scan3A_33 : i32
    %scan3A_35 = arith.constant 1 : i32
    %scan3A_36:2 = scf.for %scan3A_84 = %scan3A to %scan3A_34 step %scan3A_35 iter_args(%scan3A_85 = %broadcast_in_dim3A_30, %scan3A_86 = %broadcast_in_dim3A_32) -> (vector<128x1xi32>, vector<128x1xi32>)  : i32 {
      %add3A_87 = arith.addi %scan3A_85, %scan3A_86 : vector<128x1xi32>
      %shift_right_arithmetic3A = arith.constant 1 : i32
      %shift_right_arithmetic3A_88 = vector.broadcast %shift_right_arithmetic3A : i32 to vector<128x1xi32>
      %shift_right_arithmetic3A_89 = arith.shrsi %add3A_87, %shift_right_arithmetic3A_88 : vector<128x1xi32>
      %le3A = vector.broadcast %shift_right_arithmetic3A_89 : vector<128x1xi32> to vector<128x512xi32>
      %le3A_90 = arith.cmpi sle, %bitcast_convert_type3A, %le3A : vector<128x512xi32>
      %convert_element_type3A = arith.extui %le3A_90 : vector<128x512xi1> to vector<128x512xi32>
      %reduce_sum3A = arith.constant dense<0> : vector<128xi32>
      %reduce_sum3A_91 = vector.multi_reduction <add>, %convert_element_type3A, %reduce_sum3A [1] : vector<128x512xi32> to vector<128xi32>
      %broadcast_in_dim3A_92 = vector.shape_cast %reduce_sum3A_91 : vector<128xi32> to vector<128x1xi32>
      %ge3A = arith.constant 32 : i32
      %ge3A_93 = vector.broadcast %ge3A : i32 to vector<128x1xi32>
      %ge3A_94 = arith.cmpi sge, %broadcast_in_dim3A_92, %ge3A_93 : vector<128x1xi32>
      %select_n3A = arith.select %ge3A_94, %scan3A_85, %shift_right_arithmetic3A_89 : vector<128x1xi1>, vector<128x1xi32>
      %select_n3A_95 = arith.select %ge3A_94, %shift_right_arithmetic3A_89, %scan3A_86 : vector<128x1xi1>, vector<128x1xi32>
      scf.yield %select_n3A, %select_n3A_95 : vector<128x1xi32>, vector<128x1xi32>
    }
    %bitcast_convert_type3A_37 = tpu.bitcast %scan3A_36#1 : vector<128x1xi32> -> vector<128x1xf32>
    %min3A = arith.constant 4.000000e-02 : f32
    %min3A_38 = vector.broadcast %min3A : f32 to vector<128x1xf32>
    %min3A_39 = arith.minimumf %bitcast_convert_type3A_37, %min3A_38 : vector<128x1xf32>
    %swap3A_40 = arith.constant 0 : index
    %swap3A_41 = arith.constant 0 : index
    %swap3A_42 = arith.constant 0 : index
    %swap3A_43 = vector.load %arg4[%swap3A_40, %swap3A_41, %swap3A_42] : memref<1x128x8xf32, #tpu.memory_space<vmem>>, vector<1x128x1xf32>
    %swap3A_44 = vector.shape_cast %swap3A_43 : vector<1x128x1xf32> to vector<128x1xf32>
    %swap3A_45 = vector.shape_cast %min3A_39 : vector<128x1xf32> to vector<1x128x1xf32>
    tpu.vector_store %arg4[%swap3A_40, %swap3A_41, %swap3A_42], %swap3A_45 {strides = array<i32>} : memref<1x128x8xf32, #tpu.memory_space<vmem>>, vector<1x128x1xf32>,
    %broadcast_in_dim3A_46 = arith.constant -1 : i32
    %broadcast_in_dim3A_47 = vector.broadcast %broadcast_in_dim3A_46 : i32 to vector<128x1xi32>
    %broadcast_in_dim3A_48 = arith.constant 1082130432 : i32
    %broadcast_in_dim3A_49 = vector.broadcast %broadcast_in_dim3A_48 : i32 to vector<128x1xi32>
    %scan3A_50 = arith.constant 0 : i32
    %scan3A_51 = arith.constant 31 : i32
    %scan3A_52 = arith.addi %scan3A_50, %scan3A_51 : i32
    %scan3A_53 = arith.constant 1 : i32
    %scan3A_54:2 = scf.for %scan3A_84 = %scan3A_50 to %scan3A_52 step %scan3A_53 iter_args(%scan3A_85 = %broadcast_in_dim3A_47, %scan3A_86 = %broadcast_in_dim3A_49) -> (vector<128x1xi32>, vector<128x1xi32>)  : i32 {
      %add3A_87 = arith.addi %scan3A_85, %scan3A_86 : vector<128x1xi32>
      %shift_right_arithmetic3A = arith.constant 1 : i32
      %shift_right_arithmetic3A_88 = vector.broadcast %shift_right_arithmetic3A : i32 to vector<128x1xi32>
      %shift_right_arithmetic3A_89 = arith.shrsi %add3A_87, %shift_right_arithmetic3A_88 : vector<128x1xi32>
      %le3A = vector.broadcast %shift_right_arithmetic3A_89 : vector<128x1xi32> to vector<128x512xi32>
      %le3A_90 = arith.cmpi sle, %bitcast_convert_type3A, %le3A : vector<128x512xi32>
      %convert_element_type3A = arith.extui %le3A_90 : vector<128x512xi1> to vector<128x512xi32>
      %reduce_sum3A = arith.constant dense<0> : vector<128xi32>
      %reduce_sum3A_91 = vector.multi_reduction <add>, %convert_element_type3A, %reduce_sum3A [1] : vector<128x512xi32> to vector<128xi32>
      %broadcast_in_dim3A_92 = vector.shape_cast %reduce_sum3A_91 : vector<128xi32> to vector<128x1xi32>
      %ge3A = arith.constant 64 : i32
      %ge3A_93 = vector.broadcast %ge3A : i32 to vector<128x1xi32>
      %ge3A_94 = arith.cmpi sge, %broadcast_in_dim3A_92, %ge3A_93 : vector<128x1xi32>
      %select_n3A = arith.select %ge3A_94, %scan3A_85, %shift_right_arithmetic3A_89 : vector<128x1xi1>, vector<128x1xi32>
      %select_n3A_95 = arith.select %ge3A_94, %shift_right_arithmetic3A_89, %scan3A_86 : vector<128x1xi1>, vector<128x1xi32>
      scf.yield %select_n3A, %select_n3A_95 : vector<128x1xi32>, vector<128x1xi32>
    }
    %bitcast_convert_type3A_55 = tpu.bitcast %scan3A_54#1 : vector<128x1xi32> -> vector<128x1xf32>
    %min3A_56 = arith.constant 1.600000e-01 : f32
    %min3A_57 = vector.broadcast %min3A_56 : f32 to vector<128x1xf32>
    %min3A_58 = arith.minimumf %bitcast_convert_type3A_55, %min3A_57 : vector<128x1xf32>
    %swap3A_59 = arith.constant 0 : index
    %swap3A_60 = arith.constant 0 : index
    %swap3A_61 = arith.constant 1 : index
    %swap3A_62 = vector.load %arg4[%swap3A_59, %swap3A_60, %swap3A_61] : memref<1x128x8xf32, #tpu.memory_space<vmem>>, vector<1x128x1xf32>
    %swap3A_63 = vector.shape_cast %swap3A_62 : vector<1x128x1xf32> to vector<128x1xf32>
    %swap3A_64 = vector.shape_cast %min3A_58 : vector<128x1xf32> to vector<1x128x1xf32>
    tpu.vector_store %arg4[%swap3A_59, %swap3A_60, %swap3A_61], %swap3A_64 {strides = array<i32>} : memref<1x128x8xf32, #tpu.memory_space<vmem>>, vector<1x128x1xf32>,
    %broadcast_in_dim3A_65 = arith.constant -1 : i32
    %broadcast_in_dim3A_66 = vector.broadcast %broadcast_in_dim3A_65 : i32 to vector<128x1xi32>
    %broadcast_in_dim3A_67 = arith.constant 1082130432 : i32
    %broadcast_in_dim3A_68 = vector.broadcast %broadcast_in_dim3A_67 : i32 to vector<128x1xi32>
    %scan3A_69 = arith.constant 0 : i32
    %scan3A_70 = arith.constant 31 : i32
    %scan3A_71 = arith.addi %scan3A_69, %scan3A_70 : i32
    %scan3A_72 = arith.constant 1 : i32
    %scan3A_73:2 = scf.for %scan3A_84 = %scan3A_69 to %scan3A_71 step %scan3A_72 iter_args(%scan3A_85 = %broadcast_in_dim3A_66, %scan3A_86 = %broadcast_in_dim3A_68) -> (vector<128x1xi32>, vector<128x1xi32>)  : i32 {
      %add3A_87 = arith.addi %scan3A_85, %scan3A_86 : vector<128x1xi32>
      %shift_right_arithmetic3A = arith.constant 1 : i32
      %shift_right_arithmetic3A_88 = vector.broadcast %shift_right_arithmetic3A : i32 to vector<128x1xi32>
      %shift_right_arithmetic3A_89 = arith.shrsi %add3A_87, %shift_right_arithmetic3A_88 : vector<128x1xi32>
      %le3A = vector.broadcast %shift_right_arithmetic3A_89 : vector<128x1xi32> to vector<128x512xi32>
      %le3A_90 = arith.cmpi sle, %bitcast_convert_type3A, %le3A : vector<128x512xi32>
      %convert_element_type3A = arith.extui %le3A_90 : vector<128x512xi1> to vector<128x512xi32>
      %reduce_sum3A = arith.constant dense<0> : vector<128xi32>
      %reduce_sum3A_91 = vector.multi_reduction <add>, %convert_element_type3A, %reduce_sum3A [1] : vector<128x512xi32> to vector<128xi32>
      %broadcast_in_dim3A_92 = vector.shape_cast %reduce_sum3A_91 : vector<128xi32> to vector<128x1xi32>
      %ge3A = arith.constant 128 : i32
      %ge3A_93 = vector.broadcast %ge3A : i32 to vector<128x1xi32>
      %ge3A_94 = arith.cmpi sge, %broadcast_in_dim3A_92, %ge3A_93 : vector<128x1xi32>
      %select_n3A = arith.select %ge3A_94, %scan3A_85, %shift_right_arithmetic3A_89 : vector<128x1xi1>, vector<128x1xi32>
      %select_n3A_95 = arith.select %ge3A_94, %shift_right_arithmetic3A_89, %scan3A_86 : vector<128x1xi1>, vector<128x1xi32>
      scf.yield %select_n3A, %select_n3A_95 : vector<128x1xi32>, vector<128x1xi32>
    }
    %bitcast_convert_type3A_74 = tpu.bitcast %scan3A_73#1 : vector<128x1xi32> -> vector<128x1xf32>
    %min3A_75 = arith.constant 6.400000e-01 : f32
    %min3A_76 = vector.broadcast %min3A_75 : f32 to vector<128x1xf32>
    %min3A_77 = arith.minimumf %bitcast_convert_type3A_74, %min3A_76 : vector<128x1xf32>
    %swap3A_78 = arith.constant 0 : index
    %swap3A_79 = arith.constant 0 : index
    %swap3A_80 = arith.constant 2 : index
    %swap3A_81 = vector.load %arg4[%swap3A_78, %swap3A_79, %swap3A_80] : memref<1x128x8xf32, #tpu.memory_space<vmem>>, vector<1x128x1xf32>
    %swap3A_82 = vector.shape_cast %swap3A_81 : vector<1x128x1xf32> to vector<128x1xf32>
    %swap3A_83 = vector.shape_cast %min3A_77 : vector<128x1xf32> to vector<1x128x1xf32>
    tpu.vector_store %arg4[%swap3A_78, %swap3A_79, %swap3A_80], %swap3A_83 {strides = array<i32>} : memref<1x128x8xf32, #tpu.memory_space<vmem>>, vector<1x128x1xf32>,
    return
  }
  func.func @transform_0(%arg0: i32) -> (i32, i32, i32) {
    %c0_i32 = arith.constant 0 : i32
    %c0_i32_0 = arith.constant 0 : i32
    %c0_i32_1 = arith.constant 0 : i32
    return %arg0, %c0_i32, %c0_i32_0 : i32, i32, i32
  }
  func.func @transform_1(%arg0: i32) -> (i32, i32, i32) {
    %c0_i32 = arith.constant 0 : i32
    %c0_i32_0 = arith.constant 0 : i32
    %c0_i32_1 = arith.constant 0 : i32
    return %arg0, %c0_i32, %c0_i32_0 : i32, i32, i32
  }
  func.func @transform_2(%arg0: i32) -> (i32, i32, i32) {
    %c0_i32 = arith.constant 0 : i32
    %c0_i32_0 = arith.constant 0 : i32
    %c0_i32_1 = arith.constant 0 : i32
    return %arg0, %c0_i32, %c0_i32_0 : i32, i32, i32
  }
  func.func @transform_3(%arg0: i32) -> (i32, i32, i32) {
    %c0_i32 = arith.constant 0 : i32
    %c0_i32_0 = arith.constant 0 : i32
    %c0_i32_1 = arith.constant 0 : i32
    return %arg0, %c0_i32, %c0_i32_0 : i32, i32, i32
  }
}

module attributes {stable_mosaic.version = 14 : i64} {
  func.func @_knn_body(%arg0: i32, %arg1: i32, %arg2: memref<1x512x3xf32, #tpu.memory_space<vmem>>, %arg3: memref<1x3x128xf32, #tpu.memory_space<vmem>>, %arg4: memref<1x128x640xf32, #tpu.memory_space<vmem>>, %arg5: memref<1x512x640xf32, #tpu.memory_space<vmem>>) attributes {dimension_semantics = [#tpu.dimension_semantics<arbitrary>, #tpu.dimension_semantics<arbitrary>], iteration_bounds = array<i64: 4, 1>, scalar_prefetch = 0 : i64, scratch_operands = 0 : i64, tpu.core_type = #tpu.core_type<tc>, window_params = [{transform_indices = @transform_0, window_bounds = array<i64: 1, 512, 3>}, {transform_indices = @transform_1, window_bounds = array<i64: 1, 3, 128>}, {transform_indices = @transform_2, window_bounds = array<i64: 1, 128, 640>}, {transform_indices = @transform_3, window_bounds = array<i64: 1, 512, 640>}]} {
    %get3A = arith.constant 0 : index
    %get3A_0 = arith.constant 0 : index
    %get3A_1 = arith.constant 0 : index
    %get3A_2 = vector.load %arg2[%get3A, %get3A_0, %get3A_1] : memref<1x512x3xf32, #tpu.memory_space<vmem>>, vector<1x512x3xf32>
    %get3A_3 = vector.shape_cast %get3A_2 : vector<1x512x3xf32> to vector<512x3xf32>
    %get3A_4 = arith.constant 0 : index
    %get3A_5 = arith.constant 0 : index
    %get3A_6 = arith.constant 0 : index
    %get3A_7 = vector.load %arg3[%get3A_4, %get3A_5, %get3A_6] : memref<1x3x128xf32, #tpu.memory_space<vmem>>, vector<1x3x128xf32>
    %get3A_8 = vector.shape_cast %get3A_7 : vector<1x3x128xf32> to vector<3x128xf32>
    %get3A_9 = arith.constant 0 : index
    %get3A_10 = arith.constant 0 : index
    %get3A_11 = arith.constant 0 : index
    %get3A_12 = vector.load %arg4[%get3A_9, %get3A_10, %get3A_11] : memref<1x128x640xf32, #tpu.memory_space<vmem>>, vector<1x128x640xf32>
    %get3A_13 = vector.shape_cast %get3A_12 : vector<1x128x640xf32> to vector<128x640xf32>
    %slice3A = vector.extract_strided_slice %get3A_3 {offsets = [0, 0], sizes = [512, 1], strides = [1, 1]} : vector<512x3xf32> to vector<512x1xf32>
    %slice3A_14 = vector.extract_strided_slice %get3A_8 {offsets = [0, 0], sizes = [1, 128], strides = [1, 1]} : vector<3x128xf32> to vector<1x128xf32>
    %sub3A = vector.broadcast %slice3A : vector<512x1xf32> to vector<512x128xf32>
    %sub3A_15 = vector.broadcast %slice3A_14 : vector<1x128xf32> to vector<512x128xf32>
    %sub3A_16 = arith.subf %sub3A, %sub3A_15 : vector<512x128xf32>
    %slice3A_17 = vector.extract_strided_slice %get3A_3 {offsets = [0, 1], sizes = [512, 1], strides = [1, 1]} : vector<512x3xf32> to vector<512x1xf32>
    %slice3A_18 = vector.extract_strided_slice %get3A_8 {offsets = [1, 0], sizes = [1, 128], strides = [1, 1]} : vector<3x128xf32> to vector<1x128xf32>
    %sub3A_19 = vector.broadcast %slice3A_17 : vector<512x1xf32> to vector<512x128xf32>
    %sub3A_20 = vector.broadcast %slice3A_18 : vector<1x128xf32> to vector<512x128xf32>
    %sub3A_21 = arith.subf %sub3A_19, %sub3A_20 : vector<512x128xf32>
    %slice3A_22 = vector.extract_strided_slice %get3A_3 {offsets = [0, 2], sizes = [512, 1], strides = [1, 1]} : vector<512x3xf32> to vector<512x1xf32>
    %slice3A_23 = vector.extract_strided_slice %get3A_8 {offsets = [2, 0], sizes = [1, 128], strides = [1, 1]} : vector<3x128xf32> to vector<1x128xf32>
    %sub3A_24 = vector.broadcast %slice3A_22 : vector<512x1xf32> to vector<512x128xf32>
    %sub3A_25 = vector.broadcast %slice3A_23 : vector<1x128xf32> to vector<512x128xf32>
    %sub3A_26 = arith.subf %sub3A_24, %sub3A_25 : vector<512x128xf32>
    %mul3A = arith.mulf %sub3A_16, %sub3A_16 : vector<512x128xf32>
    %mul3A_27 = arith.mulf %sub3A_21, %sub3A_21 : vector<512x128xf32>
    %add3A = arith.addf %mul3A, %mul3A_27 : vector<512x128xf32>
    %mul3A_28 = arith.mulf %sub3A_26, %sub3A_26 : vector<512x128xf32>
    %add3A_29 = arith.addf %add3A, %mul3A_28 : vector<512x128xf32>
    %iota3A = tpu.iota {dimensions = array<i32: 1>} : vector<512x128xi32>
    %broadcast_in_dim3A = arith.constant 0.000000e+00 : f32
    %broadcast_in_dim3A_30 = vector.broadcast %broadcast_in_dim3A : f32 to vector<512x128xf32>
    %broadcast_in_dim3A_31 = arith.constant 0.000000e+00 : f32
    %broadcast_in_dim3A_32 = vector.broadcast %broadcast_in_dim3A_31 : f32 to vector<512x1xf32>
    %reduce_min3A = arith.constant dense<0x7F800000> : vector<512xf32>
    %reduce_min3A_33 = vector.multi_reduction <minimumf>, %add3A_29, %reduce_min3A [1] : vector<512x128xf32> to vector<512xf32>
    %broadcast_in_dim3A_34 = vector.shape_cast %reduce_min3A_33 : vector<512xf32> to vector<512x1xf32>
    %eq3A = vector.broadcast %broadcast_in_dim3A_34 : vector<512x1xf32> to vector<512x128xf32>
    %eq3A_35 = arith.cmpf oeq, %add3A_29, %eq3A : vector<512x128xf32>
    %jit3A = arith.constant 128 : i32
    %broadcast_in_dim3A_36 = vector.broadcast %jit3A : i32 to vector<512x128xi32>
    %select_n3A = arith.select %eq3A_35, %iota3A, %broadcast_in_dim3A_36 : vector<512x128xi1>, vector<512x128xi32>
    %reduce_min3A_37 = arith.constant dense<2147483647> : vector<512xi32>
    %reduce_min3A_38 = vector.multi_reduction <minsi>, %select_n3A, %reduce_min3A_37 [1] : vector<512x128xi32> to vector<512xi32>
    %broadcast_in_dim3A_39 = vector.shape_cast %reduce_min3A_38 : vector<512xi32> to vector<512x1xi32>
    %eq3A_40 = vector.broadcast %broadcast_in_dim3A_39 : vector<512x1xi32> to vector<512x128xi32>
    %eq3A_41 = arith.cmpi eq, %iota3A, %eq3A_40 : vector<512x128xi32>
    %max3A = arith.constant 1.000000e-16 : f32
    %max3A_42 = vector.broadcast %max3A : f32 to vector<512x1xf32>
    %max3A_43 = arith.maximumf %broadcast_in_dim3A_34, %max3A_42 : vector<512x1xf32>
    %div3A = arith.constant 1.000000e+00 : f32
    %div3A_44 = vector.broadcast %div3A : f32 to vector<512x1xf32>
    %div3A_45 = arith.divf %div3A_44, %max3A_43 : vector<512x1xf32>
    %broadcast_in_dim3A_46 = vector.shape_cast %div3A_45 : vector<512x1xf32> to vector<512x1xf32>
    %broadcast_in_dim3A_47 = vector.broadcast %broadcast_in_dim3A_46 : vector<512x1xf32> to vector<512x128xf32>
    %select_n3A_48 = arith.select %eq3A_41, %broadcast_in_dim3A_47, %broadcast_in_dim3A_30 : vector<512x128xi1>, vector<512x128xf32>
    %add3A_49 = arith.addf %broadcast_in_dim3A_32, %div3A_45 : vector<512x1xf32>
    %jit3A_50 = arith.constant 0x7F800000 : f32
    %broadcast_in_dim3A_51 = vector.broadcast %jit3A_50 : f32 to vector<512x128xf32>
    %select_n3A_52 = arith.select %eq3A_41, %broadcast_in_dim3A_51, %add3A_29 : vector<512x128xi1>, vector<512x128xf32>
    %reduce_min3A_53 = arith.constant dense<0x7F800000> : vector<512xf32>
    %reduce_min3A_54 = vector.multi_reduction <minimumf>, %select_n3A_52, %reduce_min3A_53 [1] : vector<512x128xf32> to vector<512xf32>
    %broadcast_in_dim3A_55 = vector.shape_cast %reduce_min3A_54 : vector<512xf32> to vector<512x1xf32>
    %eq3A_56 = vector.broadcast %broadcast_in_dim3A_55 : vector<512x1xf32> to vector<512x128xf32>
    %eq3A_57 = arith.cmpf oeq, %select_n3A_52, %eq3A_56 : vector<512x128xf32>
    %jit3A_58 = arith.constant 128 : i32
    %broadcast_in_dim3A_59 = vector.broadcast %jit3A_58 : i32 to vector<512x128xi32>
    %select_n3A_60 = arith.select %eq3A_57, %iota3A, %broadcast_in_dim3A_59 : vector<512x128xi1>, vector<512x128xi32>
    %reduce_min3A_61 = arith.constant dense<2147483647> : vector<512xi32>
    %reduce_min3A_62 = vector.multi_reduction <minsi>, %select_n3A_60, %reduce_min3A_61 [1] : vector<512x128xi32> to vector<512xi32>
    %broadcast_in_dim3A_63 = vector.shape_cast %reduce_min3A_62 : vector<512xi32> to vector<512x1xi32>
    %eq3A_64 = vector.broadcast %broadcast_in_dim3A_63 : vector<512x1xi32> to vector<512x128xi32>
    %eq3A_65 = arith.cmpi eq, %iota3A, %eq3A_64 : vector<512x128xi32>
    %max3A_66 = arith.constant 1.000000e-16 : f32
    %max3A_67 = vector.broadcast %max3A_66 : f32 to vector<512x1xf32>
    %max3A_68 = arith.maximumf %broadcast_in_dim3A_55, %max3A_67 : vector<512x1xf32>
    %div3A_69 = arith.constant 1.000000e+00 : f32
    %div3A_70 = vector.broadcast %div3A_69 : f32 to vector<512x1xf32>
    %div3A_71 = arith.divf %div3A_70, %max3A_68 : vector<512x1xf32>
    %broadcast_in_dim3A_72 = vector.shape_cast %div3A_71 : vector<512x1xf32> to vector<512x1xf32>
    %broadcast_in_dim3A_73 = vector.broadcast %broadcast_in_dim3A_72 : vector<512x1xf32> to vector<512x128xf32>
    %select_n3A_74 = arith.select %eq3A_65, %broadcast_in_dim3A_73, %select_n3A_48 : vector<512x128xi1>, vector<512x128xf32>
    %add3A_75 = arith.addf %add3A_49, %div3A_71 : vector<512x1xf32>
    %jit3A_76 = arith.constant 0x7F800000 : f32
    %broadcast_in_dim3A_77 = vector.broadcast %jit3A_76 : f32 to vector<512x128xf32>
    %select_n3A_78 = arith.select %eq3A_65, %broadcast_in_dim3A_77, %select_n3A_52 : vector<512x128xi1>, vector<512x128xf32>
    %reduce_min3A_79 = arith.constant dense<0x7F800000> : vector<512xf32>
    %reduce_min3A_80 = vector.multi_reduction <minimumf>, %select_n3A_78, %reduce_min3A_79 [1] : vector<512x128xf32> to vector<512xf32>
    %broadcast_in_dim3A_81 = vector.shape_cast %reduce_min3A_80 : vector<512xf32> to vector<512x1xf32>
    %eq3A_82 = vector.broadcast %broadcast_in_dim3A_81 : vector<512x1xf32> to vector<512x128xf32>
    %eq3A_83 = arith.cmpf oeq, %select_n3A_78, %eq3A_82 : vector<512x128xf32>
    %jit3A_84 = arith.constant 128 : i32
    %broadcast_in_dim3A_85 = vector.broadcast %jit3A_84 : i32 to vector<512x128xi32>
    %select_n3A_86 = arith.select %eq3A_83, %iota3A, %broadcast_in_dim3A_85 : vector<512x128xi1>, vector<512x128xi32>
    %reduce_min3A_87 = arith.constant dense<2147483647> : vector<512xi32>
    %reduce_min3A_88 = vector.multi_reduction <minsi>, %select_n3A_86, %reduce_min3A_87 [1] : vector<512x128xi32> to vector<512xi32>
    %broadcast_in_dim3A_89 = vector.shape_cast %reduce_min3A_88 : vector<512xi32> to vector<512x1xi32>
    %eq3A_90 = vector.broadcast %broadcast_in_dim3A_89 : vector<512x1xi32> to vector<512x128xi32>
    %eq3A_91 = arith.cmpi eq, %iota3A, %eq3A_90 : vector<512x128xi32>
    %max3A_92 = arith.constant 1.000000e-16 : f32
    %max3A_93 = vector.broadcast %max3A_92 : f32 to vector<512x1xf32>
    %max3A_94 = arith.maximumf %broadcast_in_dim3A_81, %max3A_93 : vector<512x1xf32>
    %div3A_95 = arith.constant 1.000000e+00 : f32
    %div3A_96 = vector.broadcast %div3A_95 : f32 to vector<512x1xf32>
    %div3A_97 = arith.divf %div3A_96, %max3A_94 : vector<512x1xf32>
    %broadcast_in_dim3A_98 = vector.shape_cast %div3A_97 : vector<512x1xf32> to vector<512x1xf32>
    %broadcast_in_dim3A_99 = vector.broadcast %broadcast_in_dim3A_98 : vector<512x1xf32> to vector<512x128xf32>
    %select_n3A_100 = arith.select %eq3A_91, %broadcast_in_dim3A_99, %select_n3A_74 : vector<512x128xi1>, vector<512x128xf32>
    %add3A_101 = arith.addf %add3A_75, %div3A_97 : vector<512x1xf32>
    %dot_general3A = arith.constant dense<0.000000e+00> : vector<512x640xf32>
    %dot_general3A_102 = tpu.matmul %select_n3A_100, %get3A_13, %dot_general3A {dimension_numbers = #tpu.dot_dimension_numbers<[1], [0], [0], [1], [0, 0, 1, 1], [], []>, precision = #tpu.contract_precision<fp32>, transpose_lhs_hint = false} : vector<512x128xf32>, vector<128x640xf32>, vector<512x640xf32> -> vector<512x640xf32>
    %div3A_103 = vector.broadcast %add3A_101 : vector<512x1xf32> to vector<512x640xf32>
    %div3A_104 = arith.divf %dot_general3A_102, %div3A_103 : vector<512x640xf32>
    %swap3A = arith.constant 0 : index
    %swap3A_105 = arith.constant 0 : index
    %swap3A_106 = arith.constant 0 : index
    %swap3A_107 = vector.load %arg5[%swap3A, %swap3A_105, %swap3A_106] : memref<1x512x640xf32, #tpu.memory_space<vmem>>, vector<1x512x640xf32>
    %swap3A_108 = vector.shape_cast %swap3A_107 : vector<1x512x640xf32> to vector<512x640xf32>
    %swap3A_109 = vector.shape_cast %div3A_104 : vector<512x640xf32> to vector<1x512x640xf32>
    tpu.vector_store %arg5[%swap3A, %swap3A_105, %swap3A_106], %swap3A_109 {strides = array<i32>} : memref<1x512x640xf32, #tpu.memory_space<vmem>>, vector<1x512x640xf32>,
    return
  }
  func.func @transform_0(%arg0: i32, %arg1: i32) -> (i32, i32, i32) {
    %c0_i32 = arith.constant 0 : i32
    %c0_i32_0 = arith.constant 0 : i32
    return %arg0, %arg1, %c0_i32 : i32, i32, i32
  }
  func.func @transform_1(%arg0: i32, %arg1: i32) -> (i32, i32, i32) {
    %c0_i32 = arith.constant 0 : i32
    %c0_i32_0 = arith.constant 0 : i32
    %c0_i32_1 = arith.constant 0 : i32
    return %arg0, %c0_i32, %c0_i32_0 : i32, i32, i32
  }
  func.func @transform_2(%arg0: i32, %arg1: i32) -> (i32, i32, i32) {
    %c0_i32 = arith.constant 0 : i32
    %c0_i32_0 = arith.constant 0 : i32
    %c0_i32_1 = arith.constant 0 : i32
    return %arg0, %c0_i32, %c0_i32_0 : i32, i32, i32
  }
  func.func @transform_3(%arg0: i32, %arg1: i32) -> (i32, i32, i32) {
    %c0_i32 = arith.constant 0 : i32
    %c0_i32_0 = arith.constant 0 : i32
    return %arg0, %arg1, %c0_i32 : i32, i32, i32
  }
}

module attributes {stable_mosaic.version = 14 : i64} {
  func.func @_knn_body(%arg0: i32, %arg1: i32, %arg2: memref<1x512x3xf32, #tpu.memory_space<vmem>>, %arg3: memref<1x3x512xf32, #tpu.memory_space<vmem>>, %arg4: memref<1x512x256xf32, #tpu.memory_space<vmem>>, %arg5: memref<1x512x256xf32, #tpu.memory_space<vmem>>) attributes {dimension_semantics = [#tpu.dimension_semantics<arbitrary>, #tpu.dimension_semantics<arbitrary>], iteration_bounds = array<i64: 4, 8>, scalar_prefetch = 0 : i64, scratch_operands = 0 : i64, tpu.core_type = #tpu.core_type<tc>, window_params = [{transform_indices = @transform_0, window_bounds = array<i64: 1, 512, 3>}, {transform_indices = @transform_1, window_bounds = array<i64: 1, 3, 512>}, {transform_indices = @transform_2, window_bounds = array<i64: 1, 512, 256>}, {transform_indices = @transform_3, window_bounds = array<i64: 1, 512, 256>}]} {
    %get3A = arith.constant 0 : index
    %get3A_0 = arith.constant 0 : index
    %get3A_1 = arith.constant 0 : index
    %get3A_2 = vector.load %arg2[%get3A, %get3A_0, %get3A_1] : memref<1x512x3xf32, #tpu.memory_space<vmem>>, vector<1x512x3xf32>
    %get3A_3 = vector.shape_cast %get3A_2 : vector<1x512x3xf32> to vector<512x3xf32>
    %get3A_4 = arith.constant 0 : index
    %get3A_5 = arith.constant 0 : index
    %get3A_6 = arith.constant 0 : index
    %get3A_7 = vector.load %arg3[%get3A_4, %get3A_5, %get3A_6] : memref<1x3x512xf32, #tpu.memory_space<vmem>>, vector<1x3x512xf32>
    %get3A_8 = vector.shape_cast %get3A_7 : vector<1x3x512xf32> to vector<3x512xf32>
    %get3A_9 = arith.constant 0 : index
    %get3A_10 = arith.constant 0 : index
    %get3A_11 = arith.constant 0 : index
    %get3A_12 = vector.load %arg4[%get3A_9, %get3A_10, %get3A_11] : memref<1x512x256xf32, #tpu.memory_space<vmem>>, vector<1x512x256xf32>
    %get3A_13 = vector.shape_cast %get3A_12 : vector<1x512x256xf32> to vector<512x256xf32>
    %slice3A = vector.extract_strided_slice %get3A_3 {offsets = [0, 0], sizes = [512, 1], strides = [1, 1]} : vector<512x3xf32> to vector<512x1xf32>
    %slice3A_14 = vector.extract_strided_slice %get3A_8 {offsets = [0, 0], sizes = [1, 512], strides = [1, 1]} : vector<3x512xf32> to vector<1x512xf32>
    %sub3A = vector.broadcast %slice3A : vector<512x1xf32> to vector<512x512xf32>
    %sub3A_15 = vector.broadcast %slice3A_14 : vector<1x512xf32> to vector<512x512xf32>
    %sub3A_16 = arith.subf %sub3A, %sub3A_15 : vector<512x512xf32>
    %slice3A_17 = vector.extract_strided_slice %get3A_3 {offsets = [0, 1], sizes = [512, 1], strides = [1, 1]} : vector<512x3xf32> to vector<512x1xf32>
    %slice3A_18 = vector.extract_strided_slice %get3A_8 {offsets = [1, 0], sizes = [1, 512], strides = [1, 1]} : vector<3x512xf32> to vector<1x512xf32>
    %sub3A_19 = vector.broadcast %slice3A_17 : vector<512x1xf32> to vector<512x512xf32>
    %sub3A_20 = vector.broadcast %slice3A_18 : vector<1x512xf32> to vector<512x512xf32>
    %sub3A_21 = arith.subf %sub3A_19, %sub3A_20 : vector<512x512xf32>
    %slice3A_22 = vector.extract_strided_slice %get3A_3 {offsets = [0, 2], sizes = [512, 1], strides = [1, 1]} : vector<512x3xf32> to vector<512x1xf32>
    %slice3A_23 = vector.extract_strided_slice %get3A_8 {offsets = [2, 0], sizes = [1, 512], strides = [1, 1]} : vector<3x512xf32> to vector<1x512xf32>
    %sub3A_24 = vector.broadcast %slice3A_22 : vector<512x1xf32> to vector<512x512xf32>
    %sub3A_25 = vector.broadcast %slice3A_23 : vector<1x512xf32> to vector<512x512xf32>
    %sub3A_26 = arith.subf %sub3A_24, %sub3A_25 : vector<512x512xf32>
    %mul3A = arith.mulf %sub3A_16, %sub3A_16 : vector<512x512xf32>
    %mul3A_27 = arith.mulf %sub3A_21, %sub3A_21 : vector<512x512xf32>
    %add3A = arith.addf %mul3A, %mul3A_27 : vector<512x512xf32>
    %mul3A_28 = arith.mulf %sub3A_26, %sub3A_26 : vector<512x512xf32>
    %add3A_29 = arith.addf %add3A, %mul3A_28 : vector<512x512xf32>
    %iota3A = tpu.iota {dimensions = array<i32: 1>} : vector<512x512xi32>
    %broadcast_in_dim3A = arith.constant 0.000000e+00 : f32
    %broadcast_in_dim3A_30 = vector.broadcast %broadcast_in_dim3A : f32 to vector<512x512xf32>
    %broadcast_in_dim3A_31 = arith.constant 0.000000e+00 : f32
    %broadcast_in_dim3A_32 = vector.broadcast %broadcast_in_dim3A_31 : f32 to vector<512x1xf32>
    %reduce_min3A = arith.constant dense<0x7F800000> : vector<512xf32>
    %reduce_min3A_33 = vector.multi_reduction <minimumf>, %add3A_29, %reduce_min3A [1] : vector<512x512xf32> to vector<512xf32>
    %broadcast_in_dim3A_34 = vector.shape_cast %reduce_min3A_33 : vector<512xf32> to vector<512x1xf32>
    %eq3A = vector.broadcast %broadcast_in_dim3A_34 : vector<512x1xf32> to vector<512x512xf32>
    %eq3A_35 = arith.cmpf oeq, %add3A_29, %eq3A : vector<512x512xf32>
    %jit3A = arith.constant 512 : i32
    %broadcast_in_dim3A_36 = vector.broadcast %jit3A : i32 to vector<512x512xi32>
    %select_n3A = arith.select %eq3A_35, %iota3A, %broadcast_in_dim3A_36 : vector<512x512xi1>, vector<512x512xi32>
    %reduce_min3A_37 = arith.constant dense<2147483647> : vector<512xi32>
    %reduce_min3A_38 = vector.multi_reduction <minsi>, %select_n3A, %reduce_min3A_37 [1] : vector<512x512xi32> to vector<512xi32>
    %broadcast_in_dim3A_39 = vector.shape_cast %reduce_min3A_38 : vector<512xi32> to vector<512x1xi32>
    %eq3A_40 = vector.broadcast %broadcast_in_dim3A_39 : vector<512x1xi32> to vector<512x512xi32>
    %eq3A_41 = arith.cmpi eq, %iota3A, %eq3A_40 : vector<512x512xi32>
    %max3A = arith.constant 1.000000e-16 : f32
    %max3A_42 = vector.broadcast %max3A : f32 to vector<512x1xf32>
    %max3A_43 = arith.maximumf %broadcast_in_dim3A_34, %max3A_42 : vector<512x1xf32>
    %div3A = arith.constant 1.000000e+00 : f32
    %div3A_44 = vector.broadcast %div3A : f32 to vector<512x1xf32>
    %div3A_45 = arith.divf %div3A_44, %max3A_43 : vector<512x1xf32>
    %broadcast_in_dim3A_46 = vector.shape_cast %div3A_45 : vector<512x1xf32> to vector<512x1xf32>
    %broadcast_in_dim3A_47 = vector.broadcast %broadcast_in_dim3A_46 : vector<512x1xf32> to vector<512x512xf32>
    %select_n3A_48 = arith.select %eq3A_41, %broadcast_in_dim3A_47, %broadcast_in_dim3A_30 : vector<512x512xi1>, vector<512x512xf32>
    %add3A_49 = arith.addf %broadcast_in_dim3A_32, %div3A_45 : vector<512x1xf32>
    %jit3A_50 = arith.constant 0x7F800000 : f32
    %broadcast_in_dim3A_51 = vector.broadcast %jit3A_50 : f32 to vector<512x512xf32>
    %select_n3A_52 = arith.select %eq3A_41, %broadcast_in_dim3A_51, %add3A_29 : vector<512x512xi1>, vector<512x512xf32>
    %reduce_min3A_53 = arith.constant dense<0x7F800000> : vector<512xf32>
    %reduce_min3A_54 = vector.multi_reduction <minimumf>, %select_n3A_52, %reduce_min3A_53 [1] : vector<512x512xf32> to vector<512xf32>
    %broadcast_in_dim3A_55 = vector.shape_cast %reduce_min3A_54 : vector<512xf32> to vector<512x1xf32>
    %eq3A_56 = vector.broadcast %broadcast_in_dim3A_55 : vector<512x1xf32> to vector<512x512xf32>
    %eq3A_57 = arith.cmpf oeq, %select_n3A_52, %eq3A_56 : vector<512x512xf32>
    %jit3A_58 = arith.constant 512 : i32
    %broadcast_in_dim3A_59 = vector.broadcast %jit3A_58 : i32 to vector<512x512xi32>
    %select_n3A_60 = arith.select %eq3A_57, %iota3A, %broadcast_in_dim3A_59 : vector<512x512xi1>, vector<512x512xi32>
    %reduce_min3A_61 = arith.constant dense<2147483647> : vector<512xi32>
    %reduce_min3A_62 = vector.multi_reduction <minsi>, %select_n3A_60, %reduce_min3A_61 [1] : vector<512x512xi32> to vector<512xi32>
    %broadcast_in_dim3A_63 = vector.shape_cast %reduce_min3A_62 : vector<512xi32> to vector<512x1xi32>
    %eq3A_64 = vector.broadcast %broadcast_in_dim3A_63 : vector<512x1xi32> to vector<512x512xi32>
    %eq3A_65 = arith.cmpi eq, %iota3A, %eq3A_64 : vector<512x512xi32>
    %max3A_66 = arith.constant 1.000000e-16 : f32
    %max3A_67 = vector.broadcast %max3A_66 : f32 to vector<512x1xf32>
    %max3A_68 = arith.maximumf %broadcast_in_dim3A_55, %max3A_67 : vector<512x1xf32>
    %div3A_69 = arith.constant 1.000000e+00 : f32
    %div3A_70 = vector.broadcast %div3A_69 : f32 to vector<512x1xf32>
    %div3A_71 = arith.divf %div3A_70, %max3A_68 : vector<512x1xf32>
    %broadcast_in_dim3A_72 = vector.shape_cast %div3A_71 : vector<512x1xf32> to vector<512x1xf32>
    %broadcast_in_dim3A_73 = vector.broadcast %broadcast_in_dim3A_72 : vector<512x1xf32> to vector<512x512xf32>
    %select_n3A_74 = arith.select %eq3A_65, %broadcast_in_dim3A_73, %select_n3A_48 : vector<512x512xi1>, vector<512x512xf32>
    %add3A_75 = arith.addf %add3A_49, %div3A_71 : vector<512x1xf32>
    %jit3A_76 = arith.constant 0x7F800000 : f32
    %broadcast_in_dim3A_77 = vector.broadcast %jit3A_76 : f32 to vector<512x512xf32>
    %select_n3A_78 = arith.select %eq3A_65, %broadcast_in_dim3A_77, %select_n3A_52 : vector<512x512xi1>, vector<512x512xf32>
    %reduce_min3A_79 = arith.constant dense<0x7F800000> : vector<512xf32>
    %reduce_min3A_80 = vector.multi_reduction <minimumf>, %select_n3A_78, %reduce_min3A_79 [1] : vector<512x512xf32> to vector<512xf32>
    %broadcast_in_dim3A_81 = vector.shape_cast %reduce_min3A_80 : vector<512xf32> to vector<512x1xf32>
    %eq3A_82 = vector.broadcast %broadcast_in_dim3A_81 : vector<512x1xf32> to vector<512x512xf32>
    %eq3A_83 = arith.cmpf oeq, %select_n3A_78, %eq3A_82 : vector<512x512xf32>
    %jit3A_84 = arith.constant 512 : i32
    %broadcast_in_dim3A_85 = vector.broadcast %jit3A_84 : i32 to vector<512x512xi32>
    %select_n3A_86 = arith.select %eq3A_83, %iota3A, %broadcast_in_dim3A_85 : vector<512x512xi1>, vector<512x512xi32>
    %reduce_min3A_87 = arith.constant dense<2147483647> : vector<512xi32>
    %reduce_min3A_88 = vector.multi_reduction <minsi>, %select_n3A_86, %reduce_min3A_87 [1] : vector<512x512xi32> to vector<512xi32>
    %broadcast_in_dim3A_89 = vector.shape_cast %reduce_min3A_88 : vector<512xi32> to vector<512x1xi32>
    %eq3A_90 = vector.broadcast %broadcast_in_dim3A_89 : vector<512x1xi32> to vector<512x512xi32>
    %eq3A_91 = arith.cmpi eq, %iota3A, %eq3A_90 : vector<512x512xi32>
    %max3A_92 = arith.constant 1.000000e-16 : f32
    %max3A_93 = vector.broadcast %max3A_92 : f32 to vector<512x1xf32>
    %max3A_94 = arith.maximumf %broadcast_in_dim3A_81, %max3A_93 : vector<512x1xf32>
    %div3A_95 = arith.constant 1.000000e+00 : f32
    %div3A_96 = vector.broadcast %div3A_95 : f32 to vector<512x1xf32>
    %div3A_97 = arith.divf %div3A_96, %max3A_94 : vector<512x1xf32>
    %broadcast_in_dim3A_98 = vector.shape_cast %div3A_97 : vector<512x1xf32> to vector<512x1xf32>
    %broadcast_in_dim3A_99 = vector.broadcast %broadcast_in_dim3A_98 : vector<512x1xf32> to vector<512x512xf32>
    %select_n3A_100 = arith.select %eq3A_91, %broadcast_in_dim3A_99, %select_n3A_74 : vector<512x512xi1>, vector<512x512xf32>
    %add3A_101 = arith.addf %add3A_75, %div3A_97 : vector<512x1xf32>
    %dot_general3A = arith.constant dense<0.000000e+00> : vector<512x256xf32>
    %dot_general3A_102 = tpu.matmul %select_n3A_100, %get3A_13, %dot_general3A {dimension_numbers = #tpu.dot_dimension_numbers<[1], [0], [0], [1], [0, 0, 1, 1], [], []>, precision = #tpu.contract_precision<fp32>, transpose_lhs_hint = false} : vector<512x512xf32>, vector<512x256xf32>, vector<512x256xf32> -> vector<512x256xf32>
    %div3A_103 = vector.broadcast %add3A_101 : vector<512x1xf32> to vector<512x256xf32>
    %div3A_104 = arith.divf %dot_general3A_102, %div3A_103 : vector<512x256xf32>
    %swap3A = arith.constant 0 : index
    %swap3A_105 = arith.constant 0 : index
    %swap3A_106 = arith.constant 0 : index
    %swap3A_107 = vector.load %arg5[%swap3A, %swap3A_105, %swap3A_106] : memref<1x512x256xf32, #tpu.memory_space<vmem>>, vector<1x512x256xf32>
    %swap3A_108 = vector.shape_cast %swap3A_107 : vector<1x512x256xf32> to vector<512x256xf32>
    %swap3A_109 = vector.shape_cast %div3A_104 : vector<512x256xf32> to vector<1x512x256xf32>
    tpu.vector_store %arg5[%swap3A, %swap3A_105, %swap3A_106], %swap3A_109 {strides = array<i32>} : memref<1x512x256xf32, #tpu.memory_space<vmem>>, vector<1x512x256xf32>,
    return
  }
  func.func @transform_0(%arg0: i32, %arg1: i32) -> (i32, i32, i32) {
    %c0_i32 = arith.constant 0 : i32
    %c0_i32_0 = arith.constant 0 : i32
    return %arg0, %arg1, %c0_i32 : i32, i32, i32
  }
  func.func @transform_1(%arg0: i32, %arg1: i32) -> (i32, i32, i32) {
    %c0_i32 = arith.constant 0 : i32
    %c0_i32_0 = arith.constant 0 : i32
    %c0_i32_1 = arith.constant 0 : i32
    return %arg0, %c0_i32, %c0_i32_0 : i32, i32, i32
  }
  func.func @transform_2(%arg0: i32, %arg1: i32) -> (i32, i32, i32) {
    %c0_i32 = arith.constant 0 : i32
    %c0_i32_0 = arith.constant 0 : i32
    %c0_i32_1 = arith.constant 0 : i32
    return %arg0, %c0_i32, %c0_i32_0 : i32, i32, i32
  }
  func.func @transform_3(%arg0: i32, %arg1: i32) -> (i32, i32, i32) {
    %c0_i32 = arith.constant 0 : i32
    %c0_i32_0 = arith.constant 0 : i32
    return %arg0, %arg1, %c0_i32 : i32, i32, i32
  }
}

module attributes {stable_mosaic.version = 14 : i64} {
  func.func @_copy_kernel(%arg0: memref<4x4096x256xf32, #tpu.memory_space<vmem>>, %arg1: memref<4x4096x256xf32, #tpu.memory_space<vmem>>) attributes {dimension_semantics = [], scalar_prefetch = 0 : i64, scratch_operands = 0 : i64, tpu.core_type = #tpu.core_type<tc>} {
    %get3A = arith.constant 0 : index
    %get3A_0 = arith.constant 0 : index
    %get3A_1 = arith.constant 0 : index
    %get3A_2 = vector.load %arg0[%get3A, %get3A_0, %get3A_1] : memref<4x4096x256xf32, #tpu.memory_space<vmem>>, vector<4x4096x256xf32>
    %swap3A = arith.constant 0 : index
    %swap3A_3 = arith.constant 0 : index
    %swap3A_4 = arith.constant 0 : index
    %swap3A_5 = vector.load %arg1[%swap3A, %swap3A_3, %swap3A_4] : memref<4x4096x256xf32, #tpu.memory_space<vmem>>, vector<4x4096x256xf32>
    tpu.vector_store %arg1[%swap3A, %swap3A_3, %swap3A_4], %get3A_2 {strides = array<i32>} : memref<4x4096x256xf32, #tpu.memory_space<vmem>>, vector<4x4096x256xf32>,
    return
  }
}

</mosaic_0001>

<sc_bundles>
// kernel: sparse-core-data-format-call.cloned.1.call-start
scs
called_computation_lowered:
.L_overlay_start_0:
0x0: {  	s1 =	sld [smem:$0x3FD9]  }
0x1: {  	s2 =	sld [smem:$0x3FFE];
	_ =	sdelay $0x1  }
0x2: {  	s3 =	srdreg.scid  }
0x3: {  	s0 =	sand.u32 $0x1, s3  }
0x4: {  	s17 =	sshll.u32 s0, $0xA;
	s1 =	sadd.s32 s2, s1  }
0x5: {  	s1 =	sadd.s32 s1, s17  }
0x6: {  	[smem:$0x3F81] =	sst s1  }
0x7: {  	_ = 	snop  }
0x8: {  	(tm) =	ssettm $0x1  }
0x9: {  	s18 =	sld [smem:$0x3FFB];
	_ =	sdelay $0x3  }
0xa: {  	_ =	strace s18  }
0xb: {  	s1 =	sld [smem:$0x3FFC];
	_ =	sdelay $0x3  }
0xc: {  	_ =	strace s1  }
0xd: {  	s1 =	sld [smem:$0x3FFD];
	_ =	sdelay $0x3  }
0xe: {  	_ =	strace s1  }
0xf: {  	_ =	strace $0x8FFFFFFF  }
0x10: {  	s19 =	sld [smem:$0x3FDB];
	_ =	sdelay $0x1  }
0x11: {  	s20 =	simm.s32 $_scs_section_size  }
0x12: {  	s4 =	simm.s32 $_size__tile_overlayer_lowered;
	s5 =	simm.s32 $_tile_overlayer_lowered  }
0x13: {  	s23 =	simm.s32 $0x1BFF;
	s22 =	sshll.u32 s5, $0x1;
	s1 =	sadd.s32 s20, s19  }
0x14: {  	s6 =	simm.s32 $0x0;
	s21 =	sshll.u32 s4, $0x1;
	s4 =	sadd.s32 s22, s1  }
0x15: {  	[timem:s6], [sflag:s23] =	dma.local [hbm:s4], s21  }
0x16: {  	_ =	swait.ge [sflag:s23], s21  }
0x17: {  	s2 =	ssub.s32 $0x0, s21;
	[sflag:s23] =	ssyncset.done $0x0  }
0x18: {  	[sflag:s23] =	ssyncadd.s32 s2;
	_ =	sdelay $0x1  }
0x19: {  	s24 =	simm.s32 $0x1B8B  }
0x1a: {  	_ =	swait.ge [sflag:s24], $0x1  }
0x1b: {  	[sflag:s24] =	ssyncset.done $0x0  }
0x1c: {  	s26 =	simm.s32 $0x1B8E;
	s25 =	sld [smem:$0x3FFE];
	[sflag:s24] =	ssyncadd.s32 $0xFFFFFFFF  }
0x1d: {  	s27 =	simm.s32 $execute0_lowered;
	[smem:$0x3FD2] =	sst s26  }
0x1e: {  	s4 =	sshll.u32 s27, $0x1;
	_ =	strace $0x80000046;
	[dreg:$0x1] =	wrdreg $0xFFFFFFFF  }
0x1f: {  	s28 =	simm.s32 $_size_execute0_lowered;
	s1 =	sadd.s32 s1, s4;
	[dreg:$0x0] =	wrdreg $0x0  }
0x20: {  	s4 =	sshll.u32 s28, $0x1;
	[dreg:$0x2] =	wrdreg s1  }
0x21: {  	[dreg:$0x3] =	wrdreg s4  }
0x22: {  	[dreg:$0x4] =	wrdreg $0xC0  }
0x23: {  	_ =	task [dreg:s6], $0x5FFFF  }
0x24: {  	[dreg:$0x1] =	wrdreg $0xFFFFFFFF  }
0x25: {  	[dreg:$0x0] =	wrdreg $0x60  }
0x26: {  	[dreg:$0x2] =	wrdreg s25  }
0x27: {  	[dreg:$0x3] =	wrdreg $0x9  }
0x28: {  	_ =	task.clear_ibuf [dreg:s6], $0x4FFFF;
	_ =	strace $0x90000046  }
0x29: {  	s29 =	simm.s32 $0x9;
	_ =	strace $0x80000048  }
0x2a: {  	_ =	swait.ge [sflag:s29], $0x1  }
0x2b: {  	[sflag:s29] =	ssyncadd.s32 $0xFFFFFFFF  }
0x2c: {  	_ =	strace $0x90000048  }
0x2d: {  	_ =	sfence  }
0x2e: {  	s30 =	sld [smem:$0x0];
	_ =	sdelay $0x2  }
0x2f: {  	s31 =	sshll.u32 s3, $0xD;
	s3 =	sshrl.u32 s3, $0x2  }
0x30: {  	s2 =	sand.u32 $0x4000, s31;
	s1 =	sadd.s32 s3, s30  }
0x31: {  	s0 =	sor.u32 s2, s0;
	s1 =	sshll.u32 s1, $0x11  }
0x32: {  	s0 =	sor.u32 s1, s0  }
0x33: {  	s0 =	sadd.s32 $0x8F2B, s0  }
0x34: {  	[sflag:s0] =	ssyncadd.remote.s32 $0x1  }
0x35: {  	_ =	sfence.sel $0xFFFF  }
0x36: {  	[dreg:$0x0] =	wrdreg $0xFFFFFFFF;
	(pc) =	sbr.abs _section_cstart, $3  }
0x37: {  	[dreg:$0x1] =	wrdreg $0xFFFFFFFF  }
0x38: {  	_ =	task.clear_ibuf [dreg:s6], $0x2FFFF;
	_ =	strace $0x9FFFFFFF  }
0x39: {  	(tm) =	ssettm $0x7FFFFFFF  }
tec
execute0_lowered:
.L_overlay_start_1:
0x0: {  	(tag) =	ssettag $0x1  }
0x1: {  	s1 =	rddreg [dreg:$0x0]  }
0x2: {  	s0 =	rddreg [dreg:$0x1];
	_ =	strace $0x80000047;
	s4 =	srdreg.scid  }
0x3: {  	s7 =	simm.s32 $0x2;
	s17 =	simm.s32 $0x0;
	p0 =	por $0x0, $0x0  }
0x4: {  	s16 =	simm.s32 $0x0;
	s18 =	simm.s32 $0x0;
	s19 =	simm.s32 $0x0  }
0x5: {  	s8 =	simm.s32 $0x0;
	s10 =	simm.s32 $0x0;
	s11 =	simm.s32 $0x0  }
0x6: {  	s12 =	simm.s32 $0x0;
	s13 =	simm.s32 $0x0;
	s2 =	sadd.s32 $0x73600, s1  }
.Ltmp0:
0x7: {  	s3 =	sadd.s32 $0x1F3600, s1;
	s4 =	sshll.u32 s4, $0x4;
	(pc) =	sbr.rel .LBB1_1-.Ltmp0, $4  }
0x8: {  	s1 =	stileid.u32;
	s5 =	sand.u32 $0x10, s4;
	s4 =	simm.s32 $0x1  }
0x9: {  	s9 =	simm.s32 $0x0;
	s6 =	sor.u32 s1, s5;
	[sflag:s4] =	ssyncpa.u1 $0x0  }
0xa: {  	s5 =	sand.u32 $0x3, s1;
	s6 =	sshrl.u32 s6, $0x2;
	[sflag:s7] =	ssyncpa.u1 $0x0  }
0xb: {  	s7 =	simm.s32 $0x0;
	s15 =	smov.u32 s5;
	s14 =	smov.u32 s6  }
.LBB1_5:
0xc: {  	p1 =	slt.u32 s9, $0x2;
	s20 =	smov.u32 s19;
	s22 =	smov.u32 s14  }
0xd: {  	s23 =	smov.u32 s15;
	p2 =	sgt.s32 @!p1 s19, $0x3;
	s21 =	sshra.s32 @!p1 s19, $0x1F  }
0xe: {  	p3 =	sgt.s32 @!p1 s17, $0xC0;
	p2 =	por !p2, p1;
	s19 =	sand.u32 @!p1 s21, s19  }
0xf: {  	s21 =	sshra.s32 @!p1 s18, $0x1F;
	s20 =	simm.s32 @p2 $0x3;
	p2 =	sgt.s32 @!p1 s18, $0x7F  }
0x10: {  	p3 =	por !p3, p1;
	s19 =	ssub.s32 @!p1 s20, s19;
	p2 =	por !p2, p1  }
0x11: {  	s20 =	smov.u32 s18;
	s18 =	sand.u32 @!p1 s21, s18;
	s21 =	sadd.s32 @!p1 $0xFFFFFFFD, s19  }
0x12: {  	s20 =	simm.s32 @p2 $0x7F;
	s19 =	ssub.s32 @!p1 $0x4, s19;
	p2 =	sgt.s32 @!p1 s21, $0x0  }
0x13: {  	s18 =	ssub.s32 @!p1 s20, s18;
	s21 =	smov.u32 s17;
	p2 =	por !p2, p1  }
0x14: {  	s20 =	sadd.s32 @!p1 $0xFFFFFF81, s18;
	s18 =	ssub.s32 @!p1 $0x80, s18;
	s21 =	simm.s32 @p3 $0xC0  }
0x15: {  	s19 =	simm.s32 @!p2 $0x0;
	p2 =	sgt.s32 @!p1 s20, $0x0;
	s20 =	sshra.s32 @!p1 s17, $0x1F  }
0x16: {  	p2 =	por !p2, p1;
	s17 =	sand.u32 @!p1 s20, s17;
	s20 =	ssub.s32 @!p1 $0x0, s16  }
0x17: {  	s18 =	simm.s32 @!p2 $0x0;
	s16 =	smin.u32 @!p1 s16, s20;
	s17 =	ssub.s32 @!p1 s21, s17  }
0x18: {  	s20 =	sadd.s32 $0x80, s12;
	s18 =	smul.u32 @!p1 s19, s18;
	p2 =	sgt.s32 @!p1 s16, $0x7F  }
0x19: {  	s19 =	sadd.s32 @!p1 $0xFFFFFF40, s17;
	s16 =	ssub.s32 @!p1 $0x80, s16;
	p2 =	por !p2, p1  }
0x1a: {  	s21 =	smov.u32 s13;
	p3 =	sgt.s32 @!p1 s19, $0x7F;
	s16 =	simm.s32 @!p2 $0x0  }
0x1b: {  	s17 =	ssub.s32 @!p1 $0x140, s17;
	p2 =	por !p3, p1;
	s16 =	smul.u32 @!p1 s16, s18  }
0x1c: {  	s17 =	simm.s32 @!p2 $0x0;
	p2 =	sgt.s32 s20, $0x13F;
	s18 =	sadd.s32 $0x80, s13  }
0x1d: {  	s9 =	sadd.s32 $0x1, s9;
	p0 =	por !p0, !p0;
	s21 =	smov.u32 @p2 s18  }
0x1e: {  	s16 =	smul.u32 @!p1 s17, s16;
	p3 =	sgt.s32 s21, $0x7F;
	s17 =	sadd.s32 $0x8, s14  }
0x1f: {  	s24 =	simm.s32 @!p1 $0x2;
	s19 =	smov.u32 s11;
	s22 =	smov.u32 @p3 s17  }
0x20: {  	s20 =	simm.s32 @p2 $0x0;
	s17 =	sadd.s32 $0x4, s15;
	p2 =	sgt.s32 s22, $0x7F  }
0x21: {  	s11 =	smov.u32 s15;
	s18 =	smov.u32 s10;
	s23 =	smov.u32 @p2 s17  }
0x22: {  	s10 =	smov.u32 s14;
	s22 =	smov.u32 @p2 s6;
	p2 =	sgt.s32 s23, $0x3  }
0x23: {  	s16 =	sshrl.u32 @!p1 s16, $0x1;
	s23 =	smov.u32 @p2 s5;
	p2 =	sne.s32 s9, $0x32  }
.Ltmp1:
0x24: {  	s21 =	simm.s32 @p3 $0x0;
	s16 =	sand.u32 @!p1 $0x3FFFFFFF, s16;
	(pc) =	sbr.rel @!p2 .LBB1_6-.Ltmp1, $4  }
0x25: {  	s17 =	smov.u32 s7;
	s7 =	smov.u32 s12;
	s12 =	smov.u32 s20  }
0x26: {  	_ =	swait.ge @!p1 [sflag:s24], s16;
	s25 =	ssub.s32 @!p1 $0x0, s16;
	s16 =	smov.u32 s8  }
0x27: {  	s8 =	smov.u32 s13;
	s13 =	smov.u32 s21;
	[sflag:s24] =	ssyncset.done @!p1 $0x0  }
0x28: {  	s14 =	smov.u32 s22;
	[sflag:s24] =	ssyncadd.s32 @!p1 s25;
	s15 =	smov.u32 s23  }
.LBB1_1:
0x29: {  	p1 =	sgt.u32 s9, $0x2F  }
0x2a: {  	s20 =	sshrl.u32 @!p1 s13, $0x3  }
0x2b: {  	s21 =	sshll.u32 @!p1 s12, $0x3;
	s20 =	smul.u32 @!p1 $0xC00, s20  }
0x2c: {  	s22 =	sshll.u32 @!p1 s13, $0x7;
	s21 =	sand.u32 @!p1 $0xFFFFFC00, s21  }
0x2d: {  	s20 =	sadd.s32 @!p1 s20, s21;
	s21 =	sand.u32 @!p1 $0x300, s22;
	s22 =	sshll.u32 @!p1 s12, $0x1  }
0x2e: {  	s20 =	sor.u32 @!p1 s21, s20;
	s21 =	sand.u32 @!p1 $0xFE, s22  }
0x2f: {  	s22 =	sand.u32 @!p1 $0x1, s13;
	s20 =	sor.u32 @!p1 s21, s20  }
0x30: {  	s21 =	sor.u32 @!p1 s22, s20;
	s20 =	smulhi.u32 @!p1 $0xAAAAAAAB, s20  }
0x31: {  	s22 =	smulhi.u32 @!p1 $0xAAAAAAAB, s21  }
0x32: {  	s23 =	smul.u32 @!p1 $0x60000, s15  }
0x33: {  	s24 =	smul.u32 @!p1 $0xC00, s14;
	s20 =	sshrl.u32 @!p1 s20, $0x8;
	s22 =	sshrl.u32 @!p1 s22, $0x8  }
0x34: {  	s20 =	sand.u32 @!p1 $0x7F, s20;
	s22 =	smul.u32 @!p1 $0x180, s22  }
0x35: {  	s23 =	sadd.s32 @!p1 s2, s23;
	s20 =	smul.u32 @!p1 $0x18, s20  }
0x36: {  	s25 =	sxor.u32 @!p1 $0xFFFFFFFF, s9;
	s21 =	ssub.s32 @!p1 s21, s22;
	s22 =	sadd.s32 @!p1 s24, s23  }
0x37: {  	s23 =	sshrl.u32 @!p1 s21, $0x4;
	s20 =	sadd.s32 @!p1 s20, s22;
	s21 =	sshll.u32 @!p1 s21, $0x11  }
0x38: {  	s22 =	sshll.u32 @!p1 s25, $0xD;
	s20 =	sadd.s32 @!p1 s23, s20;
	s21 =	sand.u32 @!p1 $0x1C0000, s21  }
0x39: {  	s22 =	sand.u32 @!p1 $0x2000, s22;
	s23 =	simm.s32 @!p1 $0x600;
	s21 =	sor.u32 @!p1 $0x200, s21  }
0x3a: {  	[tilespmem:s22], [sflag:$0x1] =	stream.strided.gather @!p1 [hbm4b:s20+s21], $0x2000, s23, s21, $0x38;
	[tilespmem:$0x8080] =	vst v63  }
0x3b: {  	p1 =	seq.s32 s9, $0x0  }
0x3c: {  	p2 =	seq.s32 @!p1 s9, $0x31  }
0x3d: {  	p1 =	por p1, p2  }
.Ltmp2:
0x3e: {  	_ = 	snop;
	(pc) =	sbr.rel @p1 .LBB1_5-.Ltmp2, $1  }
0x3f: {  	_ =	sdelay $0x3  }
0x40: {  	s20 =	simm.s32 $0x1  }
0x41: {  	_ =	swait.ge [sflag:s4], $0x2000;
	s20 =	simm.s32 @!p0 $0x0  }
0x42: {  	[sflag:s4] =	ssyncset.done $0x0;
	s20 =	sshll.u32 s20, $0xD  }
0x43: {  	[sflag:s4] =	ssyncadd.s32 $0xFFFFE000;
	s20 =	sor.u32 $0x40, s20  }
0x44: {  	v0 =	vld [tilespmem:s20+$0x20]  }
0x45: {  	v1 =	vld [tilespmem:s20+$0x30]  }
0x46: {  	v2 =	vld [tilespmem:s20+$0xFFFFFFD0]  }
0x47: {  	v3 =	vld [tilespmem:s20+$0xFFFFFFE0]  }
0x48: {  	v4 =	vld [tilespmem:s20+$0xFFFFFFF0]  }
0x49: {  	s21 =	sand.u32 $0x1, s9;
	v5 =	vld [tilespmem:s20+$0x0]  }
0x4a: {  	s21 =	smul.u32 $0x8100, s21;
	v6 =	vld [tilespmem:s20+$0x10]  }
0x4b: {  	s22 =	simm.s32 $0x0;
	s24 =	sadd.s32 $0x80, s20;
	v1 =	vperm.xlane.i2c.b16 v1  }
0x4c: {  	s23 =	sand.u32 $0x7C, s22;
	s21 =	sshrl.u32 s21, $0x2;
	v10 =	vld [tilespmem:s24+$0x20];
	v7 =	vperm.xlane.i2c.b16 v0;
	v0 =	vperm.xlane.i2c.b16 v2  }
0x4d: {  	s30 =	sand.u32 $0x80, s22;
	s31 =	sshrl.u32 s23, $0x1;
	v8 =	vld [tilespmem:s20+$0xFFFFFFC0];
	s20 =	sor.u32 $0x4000, s21;
	v3 =	vperm.xlane.i2c.b16 v3;
	v4 =	vperm.xlane.i2c.b16 v4  }
0x4e: {  	s21 =	sshrl.u32 s30, $0x1;
	s22 =	sadd.s32 s31, s20;
	v11 =	vld [tilespmem:s24+$0x30];
	v9 =	vperm.xlane.i2c.b16 v5;
	v2 =	vcombine.low v7, v1  }
0x4f: {  	v12 =	vld [tilespmem:s24+$0xFFFFFFD0];
	s21 =	sadd.s32 s21, s22;
	v14 =	vperm.xlane.i2c.b16 v6;
	v13 =	vcombine.low v3, v4  }
0x50: {  	v1 =	vcombine.high v7, v1;
	v7 =	vld [tilespmem:s24+$0xFFFFFFE0];
	[tilespmem:s21+$0x1830 ss:$0x81] =	vst.msk $0xffff, v2  }
0x51: {  	v6 =	vld [tilespmem:s24+$0xFFFFFFF0];
	v10 =	vperm.xlane.i2c.b16 v10;
	v63 =	vcombine.low v9, v14;
	[tilespmem:s21+$0x810 ss:$0x81] =	vst.msk $0xffff, v13  }
0x52: {  	s22 =	simm.s32 $0x4;
	v5 =	vld [tilespmem:s24+$0x0];
	v2 =	vperm.xlane.i2c.b16 v8;
	[tilespmem:s21+$0x1831 ss:$0x81] =	vst.msk $0xffff, v1;
	v1 =	vcombine.high v3, v4  }
0x53: {  	s23 =	simm.s32 $0x2;
	s26 =	sand.u32 $0x7C, s22;
	v9 =	vcombine.high v9, v14;
	v8 =	vperm.xlane.i2c.b16 v11;
	[tilespmem:s21+$0x1020 ss:$0x81] =	vst.msk $0xffff, v63;
	v4 =	vld [tilespmem:s24+$0x10]  }
0x54: {  	s25 =	sand.u32 $0x80, s22;
	s26 =	sshrl.u32 s26, $0x1;
	v3 =	vld [tilespmem:s24+$0xFFFFFFC0];
	s24 =	sadd.s32 $0x80, s24;
	v11 =	vcombine.low v2, v0;
	[tilespmem:s21+$0x811 ss:$0x81] =	vst.msk $0xffff, v1;
	v1 =	vperm.xlane.i2c.b16 v12  }
.LBB1_3:
0x55: {  	v12 =	vld [tilespmem:s24+$0x20];
	s26 =	sadd.s32 s26, s20;
	s25 =	sshrl.u32 s25, $0x1;
	v13 =	vperm.xlane.i2c.b16 v7;
	v7 =	vcombine.low v10, v8;
	[tilespmem:s21+$0x1021 ss:$0x81] =	vst.msk $0xffff, v9  }
0x56: {  	s23 =	sadd.s32 $0x2, s23;
	v14 =	vld [tilespmem:s24+$0x30];
	s25 =	sadd.s32 s25, s26;
	v9 =	vperm.xlane.i2c.b16 v6;
	v6 =	vcombine.high v10, v8;
	[tilespmem:s21+$0x0 ss:$0x81] =	vst.msk $0xffff, v11  }
0x57: {  	p1 =	slt.u32 s23, $0x7E;
	v11 =	vld [tilespmem:s24+$0xFFFFFFD0];
	v8 =	vperm.xlane.i2c.b16 v5;
	[tilespmem:s25+$0x1830 ss:$0x81] =	vst.msk $0xffff, v7;
	v5 =	vcombine.high v2, v0;
	v0 =	vmov v1  }
.Ltmp3:
0x58: {  	v7 =	vld [tilespmem:s24+$0xFFFFFFE0];
	v1 =	vcombine.low v13, v9;
	v4 =	vperm.xlane.i2c.b16 v4;
	[tilespmem:s25+$0x1831 ss:$0x81] =	vst.msk $0xffff, v6;
	(pc) =	sbr.rel @p1 .LBB1_3-.Ltmp3, $4  }
0x59: {  	v6 =	vld [tilespmem:s24+$0xFFFFFFF0];
	v2 =	vperm.xlane.i2c.b16 v3;
	v3 =	vcombine.high v13, v9;
	[tilespmem:s21+$0x1 ss:$0x81] =	vst.msk $0xffff, v5;
	s21 =	smov.u32 s25  }
0x5a: {  	s22 =	sadd.s32 $0x4, s22;
	v5 =	vld [tilespmem:s24+$0x0];
	[tilespmem:s21+$0x810 ss:$0x81] =	vst.msk $0xffff, v1;
	v13 =	vcombine.low v8, v4;
	v9 =	vcombine.high v8, v4  }
0x5b: {  	s26 =	sand.u32 $0x7C, s22;
	v10 =	vperm.xlane.i2c.b16 v12;
	v4 =	vld [tilespmem:s24+$0x10];
	v8 =	vperm.xlane.i2c.b16 v14;
	[tilespmem:s21+$0x811 ss:$0x81] =	vst.msk $0xffff, v3  }
0x5c: {  	s26 =	sshrl.u32 s26, $0x1;
	s25 =	sand.u32 $0x80, s22;
	v3 =	vld [tilespmem:s24+$0xFFFFFFC0];
	v1 =	vperm.xlane.i2c.b16 v11;
	s24 =	sadd.s32 $0x80, s24;
	v11 =	vcombine.low v2, v0;
	[tilespmem:s21+$0x1020 ss:$0x81] =	vst.msk $0xffff, v13  }
0x5d: {  	s22 =	sadd.s32 s26, s20;
	s23 =	sshll.u32 s7, $0x7  }
0x5e: {  	s24 =	sshll.u32 s8, $0x3;
	s25 =	sshrl.u32 s25, $0x1;
	s27 =	sshll.u32 s8, $0x1  }
0x5f: {  	p1 =	sgt.s32 s11, $0x3;
	s26 =	smov.u32 s11;
	s29 =	sshra.s32 s11, $0x1F  }
0x60: {  	s31 =	sand.u32 $0xFFFFFC00, s23;
	s24 =	sand.u32 $0xFFFFFC00, s24;
	s23 =	sand.u32 $0x300, s23  }
0x61: {  	s28 =	sand.u32 $0x80, s27;
	s26 =	simm.s32 @!p1 $0x3;
	p1 =	sgt.s32 s10, $0x7F  }
0x62: {  	s27 =	smov.u32 s10;
	s22 =	sadd.s32 s25, s22;
	s24 =	sadd.s32 s24, s31  }
0x63: {  	s27 =	simm.s32 @!p1 $0x7F;
	s23 =	sor.u32 s23, s24;
	s24 =	sand.u32 s29, s11  }
0x64: {  	s23 =	sor.u32 s28, s23;
	s28 =	sshra.s32 s10, $0x1F;
	s24 =	ssub.s32 s26, s24  }
0x65: {  	s30 =	sand.u32 s28, s10;
	s23 =	sshrl.u32 s23, $0x7;
	s31 =	sadd.s32 $0xFFFFFFFD, s24  }
0x66: {  	s24 =	ssub.s32 $0x4, s24;
	s26 =	ssub.s32 s27, s30;
	p1 =	sgt.s32 s31, $0x0  }
0x67: {  	s29 =	smulhi.u32 $0xCCCCCD, s23;
	s31 =	sshra.s32 s7, $0x1F;
	s27 =	sadd.s32 $0xFFFFFF81, s26  }
0x68: {  	s24 =	simm.s32 @p1 $0x0;
	s26 =	ssub.s32 $0x80, s26;
	p1 =	sgt.s32 s27, $0x0  }
0x69: {  	s30 =	ssub.s32 $0x0, s8;
	s28 =	sand.u32 s31, s7;
	s26 =	simm.s32 @p1 $0x0  }
0x6a: {  	v7 =	vperm.xlane.i2c.b16 v7;
	v12 =	vcombine.low v10, v8;
	[tilespmem:s21+$0x1021 ss:$0x81] =	vst.msk $0xffff, v9;
	p1 =	sgt.s32 s7, $0xC0;
	s24 =	smul.u32 s24, s26;
	s26 =	smov.u32 s7  }
0x6b: {  	v0 =	vcombine.high v2, v0;
	v6 =	vperm.xlane.i2c.b16 v6;
	[tilespmem:s21+$0x0 ss:$0x81] =	vst.msk $0xffff, v11;
	s31 =	smul.u32 $0xA00, s10;
	s27 =	smin.u32 s8, s30;
	s26 =	simm.s32 @!p1 $0xC0  }
0x6c: {  	v58 =	vcombine.high v10, v8;
	v5 =	vperm.xlane.i2c.b16 v5;
	[tilespmem:s22+$0x1830 ss:$0x81] =	vst.msk $0xffff, v12;
	p1 =	sgt.s32 s27, $0x7F;
	s27 =	ssub.s32 $0x80, s27;
	s26 =	ssub.s32 s26, s28  }
0x6d: {  	[tilespmem:s21+$0x1 ss:$0x81] =	vst.msk $0xffff, v0;
	v59 =	vcombine.low v7, v6;
	v4 =	vperm.xlane.i2c.b16 v4;
	s25 =	smul.u32 $0x140, s29;
	s27 =	simm.s32 @p1 $0x0;
	s29 =	sadd.s32 $0xFFFFFF40, s26  }
0x6e: {  	[tilespmem:s22+$0x1831 ss:$0x81] =	vst.msk $0xffff, v58;
	v6 =	vcombine.high v7, v6;
	s24 =	smul.u32 s27, s24;
	s21 =	ssub.s32 $0x140, s26;
	p1 =	sgt.s32 s29, $0x7F  }
0x6f: {  	v60 =	vperm.xlane.i2c.b16 v3;
	[tilespmem:s22+$0x810 ss:$0x81] =	vst.msk $0xffff, v59;
	v61 =	vcombine.low v5, v4;
	s30 =	smul.u32 $0x50000, s11;
	s21 =	simm.s32 @p1 $0x0  }
0x70: {  	v62 =	vcombine.high v5, v4;
	[tilespmem:s22+$0x811 ss:$0x81] =	vst.msk $0xffff, v6;
	s21 =	smul.u32 s21, s24  }
.Ltmp4:
0x71: {  	v63 =	vcombine.low v60, v1;
	[tilespmem:s22+$0x1020 ss:$0x81] =	vst.msk $0xffff, v61;
	s28 =	sshrl.u32 s8, $0x3;
	s26 =	sadd.s32 s3, s30;
	(pc) =	sbr.rel .LBB1_5-.Ltmp4, $4  }
0x72: {  	v0 =	vcombine.high v60, v1;
	[tilespmem:s22+$0x1021 ss:$0x81] =	vst.msk $0xffff, v62;
	s23 =	ssub.s32 s23, s25;
	s29 =	sadd.s32 s31, s26;
	s24 =	sand.u32 $0x7, s28  }
0x73: {  	[tilespmem:s22+$0x0 ss:$0x81] =	vst.msk $0xffff, v63;
	s23 =	sshll.u32 s23, $0x3;
	s24 =	sadd.s32 s24, s29;
	s21 =	sshrl.u32 s21, $0x1  }
0x74: {  	[tilespmem:s22+$0x1 ss:$0x81] =	vst.msk $0xffff, v0;
	s31 =	sand.u32 $0x7, s8;
	s30 =	sadd.s32 s23, s24;
	s21 =	sand.u32 $0x3FFFFFFF, s21  }
0x75: {  	[hbm4b:s30+s31] =	stream.linear.scatter [tilespmem:s20], [sflag:$0x2], s21, $0x20;
	[tilespmem:$0x8080] =	vst v63  }
.LBB1_6:
0x76: {  	_ =	sfence.sel $0x180000  }
0x77: {  	s2 =	simm.s32 $0x1;
	[bflag:$0x0] =	sbarrier.arrive $0xFFFF  }
0x78: {  	s31 =	simm.s32 $0x2;
	[sflag:s2] =	ssyncpa.u1 $0x1  }
0x79: {  	[sflag:s31] =	ssyncpa.u1 $0x1  }
0x7a: {  	p0 =	sne.s32 s1, $0x0;
	_ =	strace $0x90000047  }
0x7b: {  	s0 =	sadd.s32 @!p0 $0x100000, s0;
	[bflag:$0x2] =	sbarrier.arrive $0xFFFF  }
0x7c: {  	[sflag:s0] =	ssyncadd.tile.s32 @!p0 $0x1;
	_ =	shalt  }
.Lfunc_end1:
_tile_overlayer_lowered:
.L_overlay_start_2:
0x7d: {  	(tag) =	ssettag $0x2  }
0x7e: {  	s0 =	rddreg [dreg:$0x0];
	s2 =	stileid.u32  }
0x7f: {  	s1 =	rddreg [dreg:$0x1];
	p0 =	sne.s32 s2, $0x0  }
0x80: {  	s3 =	rddreg [dreg:$0x2];
	[bflag:$0x3] =	sbarrier.arrive $0xFFFF;
	s2 =	simm.s32 @!p0 $0x1C01  }
0x81: {  	[timem:s3], [sflag:s2] =	dma.local @!p0 [hbm:s0], s1  }
0x82: {  	s0 =	simm.s32 @!p0 $0x1  }
0x83: {  	_ =	swait.ge @!p0 [sflag:s0], s1  }
0x84: {  	s1 =	ssub.s32 @!p0 $0x0, s1;
	[sflag:s0] =	ssyncset.done @!p0 $0x0  }
0x85: {  	[sflag:s0] =	ssyncadd.s32 @!p0 s1  }
0x86: {  	[bflag:$0x3] =	sbarrier.arrive $0xFFFF  }
0x87: {  	_ =	shalt  }

</sc_bundles>
